<compile_context>
chip_gen: v7x
topology: tpu7x:2x2x1
jax: 0.10.2.dev20260603
libtpu: 0.0.44.dev20260713+nightly
codegen_flags: <defaults>
</compile_context>

<pallas_src>
import functools

import jax
import jax.numpy as jnp
from jax import lax
from jax.experimental import pallas as pl
from jax.experimental.pallas import tpu as pltpu
from jax.experimental.pallas import tpu_sc as plsc

B = 2
N = 2048
CX = 384
CC = 96
K = 16
R = 256
RT = N // R


def _tc_kernel(xc_ref, cc_ref, xt_ref, ct_ref,
               a_ref, c_ref, clo_ref, far_ref, nn_ref,
               xn_scr, ccb_scr, sqx_scr, sqc_scr):
    rt = pl.program_id(1)

    @pl.when(rt == 0)
    def _init_cols():
        xcb = xc_ref[0]
        nrm2 = jnp.sum(xcb * xcb, axis=0, keepdims=True)
        inv = 1.0 / jnp.maximum(jnp.sqrt(nrm2), 1e-12)
        xn = xcb * inv
        sqx_scr[...] = jnp.sum(xn * xn, axis=0, keepdims=True)
        xn_scr[...] = xn.astype(jnp.bfloat16)
        ccb = cc_ref[0]
        sqc_scr[...] = jnp.sum(ccb * ccb, axis=0, keepdims=True)
        ccb_scr[...] = ccb.astype(jnp.bfloat16)
        a_ref[0] = jnp.zeros((1, N), jnp.float32)
        c_ref[0] = jnp.zeros((1, N), jnp.float32)

    xrb = xt_ref[0]
    rn2 = jnp.sum(xrb * xrb, axis=1, keepdims=True)
    xrn = xrb * (1.0 / jnp.maximum(jnp.sqrt(rn2), 1e-12))
    sqx_r = jnp.sum(xrn * xrn, axis=1, keepdims=True)
    crb = ct_ref[0]
    sqc_r = jnp.sum(crb * crb, axis=1, keepdims=True)

    dims = (((1,), (0,)), ((), ()))
    gx = lax.dot_general(xrn.astype(jnp.bfloat16), xn_scr[...], dims,
                         preferred_element_type=jnp.float32)
    gc = lax.dot_general(crb.astype(jnp.bfloat16), ccb_scr[...], dims,
                         preferred_element_type=jnp.float32)
    dx = jnp.maximum(sqx_r + sqx_scr[...] - 2.0 * gx, 0.0)
    dc = jnp.maximum(sqc_r + sqc_scr[...] - 2.0 * gc, 0.0)

    dcc = jnp.maximum(dc, 1e-5)
    a_ref[0] += jnp.sum(dcc * dx, axis=0, keepdims=True)
    c_ref[0] += jnp.sum(dcc, axis=0, keepdims=True)

    col_ids = lax.broadcasted_iota(jnp.int32, (R, N), 1)
    row_ids = rt * R + lax.broadcasted_iota(jnp.int32, (R, 1), 0)
    diag = col_ids == row_ids
    inf = jnp.float32(jnp.inf)
    clo = jnp.argmin(jnp.where(diag, inf, dx), axis=1)
    far = jnp.argmax(jnp.where(diag, -inf, dx), axis=1)
    clo_ref[...] = clo.reshape(1, 1, R, 1)
    far_ref[...] = far.reshape(1, 1, R, 1)

    neg_d = -(dx + dc)
    cols = []
    for _ in range(K):
        i = jnp.argmax(neg_d, axis=1)
        cols.append(i.reshape(R, 1))
        neg_d = jnp.where(col_ids == i.reshape(R, 1), -inf, neg_d)
    nn_ref[...] = jnp.concatenate(cols, axis=1).reshape(1, 1, R, K)


def _tc_call(xc, cc, xt, ct):
    grid = (B, RT)
    return pl.pallas_call(
        _tc_kernel,
        grid=grid,
        in_specs=[
            pl.BlockSpec((1, CX, N), lambda b, rt: (b, 0, 0)),
            pl.BlockSpec((1, CC, N), lambda b, rt: (b, 0, 0)),
            pl.BlockSpec((1, R, CX), lambda b, rt: (b, rt, 0)),
            pl.BlockSpec((1, R, CC), lambda b, rt: (b, rt, 0)),
        ],
        out_specs=[
            pl.BlockSpec((1, 1, N), lambda b, rt: (b, 0, 0)),
            pl.BlockSpec((1, 1, N), lambda b, rt: (b, 0, 0)),
            pl.BlockSpec((1, 1, R, 1), lambda b, rt: (b, rt, 0, 0)),
            pl.BlockSpec((1, 1, R, 1), lambda b, rt: (b, rt, 0, 0)),
            pl.BlockSpec((1, 1, R, K), lambda b, rt: (b, rt, 0, 0)),
        ],
        out_shape=[
            jax.ShapeDtypeStruct((B, 1, N), jnp.float32),
            jax.ShapeDtypeStruct((B, 1, N), jnp.float32),
            jax.ShapeDtypeStruct((B, RT, R, 1), jnp.int32),
            jax.ShapeDtypeStruct((B, RT, R, 1), jnp.int32),
            jax.ShapeDtypeStruct((B, RT, R, K), jnp.int32),
        ],
        scratch_shapes=[
            pltpu.VMEM((CX, N), jnp.bfloat16),
            pltpu.VMEM((CC, N), jnp.bfloat16),
            pltpu.VMEM((1, N), jnp.float32),
            pltpu.VMEM((1, N), jnp.float32),
        ],
    )(xc, cc, xt, ct)


NW = 32
JW = B * N // NW
L = 16


def _sc_kernel(a_hbm, c_hbm, clo_hbm, far_hbm, out_hbm,
               a_v, c_v, clo_v, far_v, res_v):
    wid = lax.axis_index("s") * 2 + lax.axis_index("c")
    pltpu.sync_copy(a_hbm, a_v)
    pltpu.sync_copy(c_hbm, c_v)
    pltpu.sync_copy(clo_hbm, clo_v)
    pltpu.sync_copy(far_hbm, far_v)
    acc0 = jnp.zeros((L,), jnp.float32)
    acc1 = jnp.zeros((L,), jnp.float32)
    acc2 = jnp.zeros((L,), jnp.float32)
    base = wid * (N // NW)
    for b in range(B):
        boff = jnp.full((L,), b * N, jnp.int32)
        for t in range(N // NW // L):
            sl = pl.ds(b * N + base + t * L, L)
            ci = clo_v[sl] + boff
            fi = far_v[sl] + boff
            av = plsc.load_gather(a_v, [ci])
            cv = plsc.load_gather(c_v, [ci])
            acc1 += 0.2 * cv - av
            av = plsc.load_gather(a_v, [fi])
            cv = plsc.load_gather(c_v, [fi])
            acc2 += cv - av
            acc0 += 0.12 * c_v[sl] - a_v[sl]
    res_v[pl.ds(0, L)] = acc0
    res_v[pl.ds(L, L)] = acc1
    res_v[pl.ds(2 * L, L)] = acc2
    pltpu.sync_copy(res_v, out_hbm.at[wid])


@functools.partial(
    pl.kernel,
    mesh=plsc.VectorSubcoreMesh(core_axis_name="c", subcore_axis_name="s"),
    out_type=jax.ShapeDtypeStruct((NW, 3 * L), jnp.float32),
    compiler_params=pltpu.CompilerParams(needs_layout_passes=False),
    scratch_types=[
        pltpu.VMEM((B * N,), jnp.float32),
        pltpu.VMEM((B * N,), jnp.float32),
        pltpu.VMEM((B * N,), jnp.int32),
        pltpu.VMEM((B * N,), jnp.int32),
        pltpu.VMEM((3 * L,), jnp.float32),
    ],
)
def _sc_call(a_hbm, c_hbm, clo_hbm, far_hbm, out_hbm,
             a_v, c_v, clo_v, far_v, res_v):
    _sc_kernel(a_hbm, c_hbm, clo_hbm, far_hbm, out_hbm,
               a_v, c_v, clo_v, far_v, res_v)


def _finalize_loss(a, c, clo, far):
    parts = _sc_call(a, c, clo, far)
    s0 = jnp.sum(parts[:, 0:L])
    s1 = jnp.sum(parts[:, L:2 * L])
    s2 = jnp.sum(parts[:, 2 * L:3 * L])
    return (0.1 * s0 + 1.0 * s1 + 0.15 * s2) / (B * N * N)


def kernel(x, code):
    xc = jnp.squeeze(x, -1)
    cc = jnp.squeeze(code, -1)
    xt = xc.transpose(0, 2, 1)
    ct = cc.transpose(0, 2, 1)
    a, c, clo, far, nn = _tc_call(xc, cc, xt, ct)
    loss = _finalize_loss(a.reshape(B * N), c.reshape(B * N),
                          clo.reshape(B * N), far.reshape(B * N))
    nn_idx = nn.reshape(B, N, K)
    center = jnp.broadcast_to(
        jnp.arange(N, dtype=jnp.int32)[None, :, None], (B, N, K))
    edge_index = jnp.stack((nn_idx, center), axis=0)
    return edge_index, loss

# --- scband reference (transcript-rebuilt; emitter-appended) ---
"""Pipeline reference for scband-dense-dilated-knn-graph-63428077027670 (READ-ONLY COPY).

The authoritative reference and input builder live on the scoring server;
editing this copy changes nothing except your own understanding.
"""

import jax, jax.numpy as jnp
import numpy as np

K = 16
DILATION = 1


def setup_inputs(seed: int = 0) -> dict:
    key = jax.random.key(seed)
    k1, k2 = jax.random.split(key)
    x = jax.random.normal(k1, (2, 384, 2048, 1), dtype=jnp.float32)
    code = jax.random.normal(k2, (2, 96, 2048, 1), dtype=jnp.float32)
    return {"x": x, "code": code}


def _cdist2(a, b):
    # squared euclidean distance, matching torch.cdist(p=2).pow(2)
    sq_a = jnp.sum(a * a, axis=-1, keepdims=True)
    sq_b = jnp.sum(b * b, axis=-1)[:, None, :]
    d2 = sq_a + sq_b - 2.0 * jnp.einsum('bnd,bmd->bnm', a, b)
    return jnp.maximum(d2, 0.0)


def _helper(dist_x, dist_code, shift):
    dist_code_clamped = jnp.clip(dist_code, 1e-05, None)
    return -dist_code_clamped * (dist_x - shift)


def _forward(x, code):
    # F.normalize(x, p=2, dim=1), eps=1e-12
    norm = jnp.sqrt(jnp.sum(x * x, axis=1, keepdims=True))
    x = x / jnp.maximum(norm, 1e-12)
    # (B, C, N, 1) -> (B, N, C)
    xt = jnp.squeeze(x, -1).transpose(0, 2, 1)
    ct = jnp.squeeze(code, -1).transpose(0, 2, 1)
    B, N, _ = xt.shape
    k = K * DILATION
    # ---- compute_distances ----
    dist_x_self = _cdist2(xt, xt)
    dist_code_self = _cdist2(ct, ct)
    eye = jnp.eye(N, dtype=bool)[None, :, :]
    dist_min_x = jnp.where(eye, jnp.inf, dist_x_self)
    closest = jnp.argmin(dist_min_x, axis=-1)
    dist_max_x = jnp.where(eye, -jnp.inf, dist_x_self)
    farthest = jnp.argmax(dist_max_x, axis=-1)
    ci = jnp.broadcast_to(closest[:, None, :], (B, N, N))
    fi = jnp.broadcast_to(farthest[:, None, :], (B, N, N))
    dist_x_knn = jnp.take_along_axis(dist_x_self, ci, axis=2)
    dist_x_rand = jnp.take_along_axis(dist_x_self, fi, axis=2)
    dist_code_knn = jnp.take_along_axis(dist_code_self, ci, axis=2)
    dist_code_rand = jnp.take_along_axis(dist_code_self, fi, axis=2)
    # ---- Discriminative_Feature_Reorganization ----
    pos_intra = (0.1 * _helper(dist_x_self, dist_code_self, 0.12)).mean()
    pos_inter = (1.0 * _helper(dist_x_knn, dist_code_knn, 0.2)).mean()
    neg_inter = (0.15 * _helper(dist_x_rand, dist_code_rand, 1.0)).mean()
    loss = pos_intra + pos_inter + neg_inter
    # ---- Graph_Structure_Refinement (y=None path) ----
    fused = jnp.concatenate([xt, ct], axis=-1)
    fused = jax.lax.stop_gradient(fused)
    dist = _cdist2(fused, fused)
    _, nn_idx = jax.lax.top_k(-dist, k)  # (B, N, k)
    center_idx = jnp.broadcast_to(jnp.arange(N, dtype=nn_idx.dtype)[None, :, None], (B, N, k))
    edge_index = jnp.stack((nn_idx, center_idx), axis=0)  # (2, B, N, k)
    # DenseDilated (non-stochastic): edge_index[:, :, :, ::dilation]
    edge_index = edge_index[:, :, :, ::DILATION]
    return edge_index, loss


def reference(x, code):
    return _forward(x, code)

if __name__ == "__main__":
    import jax
    _d = setup_inputs()
    print(jax.jit(kernel)(*tuple(_d.values())))

</pallas_src>

<mosaic_0001>
#map = affine_map<(d0, d1) -> (0)>
#map1 = affine_map<(d0, d1) -> (0, 0)>
module attributes {stable_mosaic.version = 14 : i64} {
  func.func @_sc_call(%arg0: i32, %arg1: i32, %arg2: memref<4096xf32, #tpu.memory_space<hbm>>, %arg3: memref<4096xf32, #tpu.memory_space<hbm>>, %arg4: memref<4096xi32, #tpu.memory_space<hbm>>, %arg5: memref<4096xi32, #tpu.memory_space<hbm>>, %arg6: memref<32x48xf32, #tpu.memory_space<hbm>>, %arg7: memref<4096xf32, #tpu.memory_space<vmem>>, %arg8: memref<4096xf32, #tpu.memory_space<vmem>>, %arg9: memref<4096xi32, #tpu.memory_space<vmem>>, %arg10: memref<4096xi32, #tpu.memory_space<vmem>>, %arg11: memref<48xf32, #tpu.memory_space<vmem>>) attributes {dimension_semantics = [#tpu.dimension_semantics<core_parallel>, #tpu.dimension_semantics<subcore_parallel>], iteration_bounds = array<i64: 2, 16>, scalar_prefetch = 0 : i64, scratch_operands = 5 : i64, tpu.core_type = #tpu.core_type<sc_vector_subcore>, window_params = [{transform_indices = #map}, {transform_indices = #map}, {transform_indices = #map}, {transform_indices = #map}, {transform_indices = #map1}]} {
    %mul3A = arith.constant 2 : i32
    %mul3A_0 = arith.muli %arg1, %mul3A : i32
    %add3A = arith.addi %mul3A_0, %arg0 : i32
    "tpu.region"() ({
      %run_scoped3A = tpu.sem_alloc : memref<!tpu.dma_semaphore, #tpu.memory_space<semaphore_mem>>
      tpu.enqueue_dma source(%arg2 : memref<4096xf32, #tpu.memory_space<hbm>>) target(%arg7 : memref<4096xf32, #tpu.memory_space<vmem>>) target_semaphore(%run_scoped3A : memref<!tpu.dma_semaphore, #tpu.memory_space<semaphore_mem>>)
      tpu.wait_dma2 semaphore(%run_scoped3A : memref<!tpu.dma_semaphore, #tpu.memory_space<semaphore_mem>>) src(%arg2 : memref<4096xf32, #tpu.memory_space<hbm>>) dst(%arg7 : memref<4096xf32, #tpu.memory_space<vmem>>)
      tpu.yield
    }) : () -> ()
    "tpu.region"() ({
      %run_scoped3A = tpu.sem_alloc : memref<!tpu.dma_semaphore, #tpu.memory_space<semaphore_mem>>
      tpu.enqueue_dma source(%arg3 : memref<4096xf32, #tpu.memory_space<hbm>>) target(%arg8 : memref<4096xf32, #tpu.memory_space<vmem>>) target_semaphore(%run_scoped3A : memref<!tpu.dma_semaphore, #tpu.memory_space<semaphore_mem>>)
      tpu.wait_dma2 semaphore(%run_scoped3A : memref<!tpu.dma_semaphore, #tpu.memory_space<semaphore_mem>>) src(%arg3 : memref<4096xf32, #tpu.memory_space<hbm>>) dst(%arg8 : memref<4096xf32, #tpu.memory_space<vmem>>)
      tpu.yield
    }) : () -> ()
    "tpu.region"() ({
      %run_scoped3A = tpu.sem_alloc : memref<!tpu.dma_semaphore, #tpu.memory_space<semaphore_mem>>
      tpu.enqueue_dma source(%arg4 : memref<4096xi32, #tpu.memory_space<hbm>>) target(%arg9 : memref<4096xi32, #tpu.memory_space<vmem>>) target_semaphore(%run_scoped3A : memref<!tpu.dma_semaphore, #tpu.memory_space<semaphore_mem>>)
      tpu.wait_dma2 semaphore(%run_scoped3A : memref<!tpu.dma_semaphore, #tpu.memory_space<semaphore_mem>>) src(%arg4 : memref<4096xi32, #tpu.memory_space<hbm>>) dst(%arg9 : memref<4096xi32, #tpu.memory_space<vmem>>)
      tpu.yield
    }) : () -> ()
    "tpu.region"() ({
      %run_scoped3A = tpu.sem_alloc : memref<!tpu.dma_semaphore, #tpu.memory_space<semaphore_mem>>
      tpu.enqueue_dma source(%arg5 : memref<4096xi32, #tpu.memory_space<hbm>>) target(%arg10 : memref<4096xi32, #tpu.memory_space<vmem>>) target_semaphore(%run_scoped3A : memref<!tpu.dma_semaphore, #tpu.memory_space<semaphore_mem>>)
      tpu.wait_dma2 semaphore(%run_scoped3A : memref<!tpu.dma_semaphore, #tpu.memory_space<semaphore_mem>>) src(%arg5 : memref<4096xi32, #tpu.memory_space<hbm>>) dst(%arg10 : memref<4096xi32, #tpu.memory_space<vmem>>)
      tpu.yield
    }) : () -> ()
    %broadcast_in_dim3A = arith.constant 0.000000e+00 : f32
    %broadcast_in_dim3A_1 = vector.broadcast %broadcast_in_dim3A : f32 to vector<16xf32>
    %broadcast_in_dim3A_2 = arith.constant 0.000000e+00 : f32
    %broadcast_in_dim3A_3 = vector.broadcast %broadcast_in_dim3A_2 : f32 to vector<16xf32>
    %broadcast_in_dim3A_4 = arith.constant 0.000000e+00 : f32
    %broadcast_in_dim3A_5 = vector.broadcast %broadcast_in_dim3A_4 : f32 to vector<16xf32>
    %mul3A_6 = arith.constant 64 : i32
    %mul3A_7 = arith.muli %add3A, %mul3A_6 : i32
    %broadcast_in_dim3A_8 = arith.constant 0 : i32
    %broadcast_in_dim3A_9 = vector.broadcast %broadcast_in_dim3A_8 : i32 to vector<16xi32>
    %add3A_10 = arith.constant 0 : i32
    %add3A_11 = arith.addi %add3A_10, %mul3A_7 : i32
    %add3A_12 = arith.constant 0 : i32
    %add3A_13 = arith.addi %add3A_11, %add3A_12 : i32
    %get3A = arith.index_cast %add3A_13 : i32 to index
    %get3A_14 = tpu.vector_load %arg9[%get3A] {strides = array<i32>} : memref<4096xi32, #tpu.memory_space<vmem>>, vector<16xi32>,
    %add3A_15 = arith.addi %get3A_14, %broadcast_in_dim3A_9 : vector<16xi32>
    %get3A_16 = arith.index_cast %add3A_13 : i32 to index
    %get3A_17 = tpu.vector_load %arg10[%get3A_16] {strides = array<i32>} : memref<4096xi32, #tpu.memory_space<vmem>>, vector<16xi32>,
    %add3A_18 = arith.addi %get3A_17, %broadcast_in_dim3A_9 : vector<16xi32>
    %gather3A = tpu.vector_load_idx %arg7[%add3A_15] : memref<4096xf32, #tpu.memory_space<vmem>>[vector<16xi32>], vector<16xf32>,
    %gather3A_19 = tpu.vector_load_idx %arg8[%add3A_15] : memref<4096xf32, #tpu.memory_space<vmem>>[vector<16xi32>], vector<16xf32>,
    %mul3A_20 = arith.constant 2.000000e-01 : f32
    %mul3A_21 = vector.broadcast %mul3A_20 : f32 to vector<16xf32>
    %mul3A_22 = arith.mulf %mul3A_21, %gather3A_19 : vector<16xf32>
    %sub3A = arith.subf %mul3A_22, %gather3A : vector<16xf32>
    %add3A_23 = arith.addf %broadcast_in_dim3A_3, %sub3A : vector<16xf32>
    %gather3A_24 = tpu.vector_load_idx %arg7[%add3A_18] : memref<4096xf32, #tpu.memory_space<vmem>>[vector<16xi32>], vector<16xf32>,
    %gather3A_25 = tpu.vector_load_idx %arg8[%add3A_18] : memref<4096xf32, #tpu.memory_space<vmem>>[vector<16xi32>], vector<16xf32>,
    %sub3A_26 = arith.subf %gather3A_25, %gather3A_24 : vector<16xf32>
    %add3A_27 = arith.addf %broadcast_in_dim3A_5, %sub3A_26 : vector<16xf32>
    %get3A_28 = arith.index_cast %add3A_13 : i32 to index
    %get3A_29 = tpu.vector_load %arg8[%get3A_28] {strides = array<i32>} : memref<4096xf32, #tpu.memory_space<vmem>>, vector<16xf32>,
    %mul3A_30 = arith.constant 1.200000e-01 : f32
    %mul3A_31 = vector.broadcast %mul3A_30 : f32 to vector<16xf32>
    %mul3A_32 = arith.mulf %mul3A_31, %get3A_29 : vector<16xf32>
    %get3A_33 = arith.index_cast %add3A_13 : i32 to index
    %get3A_34 = tpu.vector_load %arg7[%get3A_33] {strides = array<i32>} : memref<4096xf32, #tpu.memory_space<vmem>>, vector<16xf32>,
    %sub3A_35 = arith.subf %mul3A_32, %get3A_34 : vector<16xf32>
    %add3A_36 = arith.addf %broadcast_in_dim3A_1, %sub3A_35 : vector<16xf32>
    %add3A_37 = arith.constant 0 : i32
    %add3A_38 = arith.addi %add3A_37, %mul3A_7 : i32
    %add3A_39 = arith.constant 16 : i32
    %add3A_40 = arith.addi %add3A_38, %add3A_39 : i32
    %get3A_41 = arith.index_cast %add3A_40 : i32 to index
    %get3A_42 = tpu.vector_load %arg9[%get3A_41] {strides = array<i32>} : memref<4096xi32, #tpu.memory_space<vmem>>, vector<16xi32>,
    %add3A_43 = arith.addi %get3A_42, %broadcast_in_dim3A_9 : vector<16xi32>
    %get3A_44 = arith.index_cast %add3A_40 : i32 to index
    %get3A_45 = tpu.vector_load %arg10[%get3A_44] {strides = array<i32>} : memref<4096xi32, #tpu.memory_space<vmem>>, vector<16xi32>,
    %add3A_46 = arith.addi %get3A_45, %broadcast_in_dim3A_9 : vector<16xi32>
    %gather3A_47 = tpu.vector_load_idx %arg7[%add3A_43] : memref<4096xf32, #tpu.memory_space<vmem>>[vector<16xi32>], vector<16xf32>,
    %gather3A_48 = tpu.vector_load_idx %arg8[%add3A_43] : memref<4096xf32, #tpu.memory_space<vmem>>[vector<16xi32>], vector<16xf32>,
    %mul3A_49 = arith.constant 2.000000e-01 : f32
    %mul3A_50 = vector.broadcast %mul3A_49 : f32 to vector<16xf32>
    %mul3A_51 = arith.mulf %mul3A_50, %gather3A_48 : vector<16xf32>
    %sub3A_52 = arith.subf %mul3A_51, %gather3A_47 : vector<16xf32>
    %add3A_53 = arith.addf %add3A_23, %sub3A_52 : vector<16xf32>
    %gather3A_54 = tpu.vector_load_idx %arg7[%add3A_46] : memref<4096xf32, #tpu.memory_space<vmem>>[vector<16xi32>], vector<16xf32>,
    %gather3A_55 = tpu.vector_load_idx %arg8[%add3A_46] : memref<4096xf32, #tpu.memory_space<vmem>>[vector<16xi32>], vector<16xf32>,
    %sub3A_56 = arith.subf %gather3A_55, %gather3A_54 : vector<16xf32>
    %add3A_57 = arith.addf %add3A_27, %sub3A_56 : vector<16xf32>
    %get3A_58 = arith.index_cast %add3A_40 : i32 to index
    %get3A_59 = tpu.vector_load %arg8[%get3A_58] {strides = array<i32>} : memref<4096xf32, #tpu.memory_space<vmem>>, vector<16xf32>,
    %mul3A_60 = arith.constant 1.200000e-01 : f32
    %mul3A_61 = vector.broadcast %mul3A_60 : f32 to vector<16xf32>
    %mul3A_62 = arith.mulf %mul3A_61, %get3A_59 : vector<16xf32>
    %get3A_63 = arith.index_cast %add3A_40 : i32 to index
    %get3A_64 = tpu.vector_load %arg7[%get3A_63] {strides = array<i32>} : memref<4096xf32, #tpu.memory_space<vmem>>, vector<16xf32>,
    %sub3A_65 = arith.subf %mul3A_62, %get3A_64 : vector<16xf32>
    %add3A_66 = arith.addf %add3A_36, %sub3A_65 : vector<16xf32>
    %add3A_67 = arith.constant 0 : i32
    %add3A_68 = arith.addi %add3A_67, %mul3A_7 : i32
    %add3A_69 = arith.constant 32 : i32
    %add3A_70 = arith.addi %add3A_68, %add3A_69 : i32
    %get3A_71 = arith.index_cast %add3A_70 : i32 to index
    %get3A_72 = tpu.vector_load %arg9[%get3A_71] {strides = array<i32>} : memref<4096xi32, #tpu.memory_space<vmem>>, vector<16xi32>,
    %add3A_73 = arith.addi %get3A_72, %broadcast_in_dim3A_9 : vector<16xi32>
    %get3A_74 = arith.index_cast %add3A_70 : i32 to index
    %get3A_75 = tpu.vector_load %arg10[%get3A_74] {strides = array<i32>} : memref<4096xi32, #tpu.memory_space<vmem>>, vector<16xi32>,
    %add3A_76 = arith.addi %get3A_75, %broadcast_in_dim3A_9 : vector<16xi32>
    %gather3A_77 = tpu.vector_load_idx %arg7[%add3A_73] : memref<4096xf32, #tpu.memory_space<vmem>>[vector<16xi32>], vector<16xf32>,
    %gather3A_78 = tpu.vector_load_idx %arg8[%add3A_73] : memref<4096xf32, #tpu.memory_space<vmem>>[vector<16xi32>], vector<16xf32>,
    %mul3A_79 = arith.constant 2.000000e-01 : f32
    %mul3A_80 = vector.broadcast %mul3A_79 : f32 to vector<16xf32>
    %mul3A_81 = arith.mulf %mul3A_80, %gather3A_78 : vector<16xf32>
    %sub3A_82 = arith.subf %mul3A_81, %gather3A_77 : vector<16xf32>
    %add3A_83 = arith.addf %add3A_53, %sub3A_82 : vector<16xf32>
    %gather3A_84 = tpu.vector_load_idx %arg7[%add3A_76] : memref<4096xf32, #tpu.memory_space<vmem>>[vector<16xi32>], vector<16xf32>,
    %gather3A_85 = tpu.vector_load_idx %arg8[%add3A_76] : memref<4096xf32, #tpu.memory_space<vmem>>[vector<16xi32>], vector<16xf32>,
    %sub3A_86 = arith.subf %gather3A_85, %gather3A_84 : vector<16xf32>
    %add3A_87 = arith.addf %add3A_57, %sub3A_86 : vector<16xf32>
    %get3A_88 = arith.index_cast %add3A_70 : i32 to index
    %get3A_89 = tpu.vector_load %arg8[%get3A_88] {strides = array<i32>} : memref<4096xf32, #tpu.memory_space<vmem>>, vector<16xf32>,
    %mul3A_90 = arith.constant 1.200000e-01 : f32
    %mul3A_91 = vector.broadcast %mul3A_90 : f32 to vector<16xf32>
    %mul3A_92 = arith.mulf %mul3A_91, %get3A_89 : vector<16xf32>
    %get3A_93 = arith.index_cast %add3A_70 : i32 to index
    %get3A_94 = tpu.vector_load %arg7[%get3A_93] {strides = array<i32>} : memref<4096xf32, #tpu.memory_space<vmem>>, vector<16xf32>,
    %sub3A_95 = arith.subf %mul3A_92, %get3A_94 : vector<16xf32>
    %add3A_96 = arith.addf %add3A_66, %sub3A_95 : vector<16xf32>
    %add3A_97 = arith.constant 0 : i32
    %add3A_98 = arith.addi %add3A_97, %mul3A_7 : i32
    %add3A_99 = arith.constant 48 : i32
    %add3A_100 = arith.addi %add3A_98, %add3A_99 : i32
    %get3A_101 = arith.index_cast %add3A_100 : i32 to index
    %get3A_102 = tpu.vector_load %arg9[%get3A_101] {strides = array<i32>} : memref<4096xi32, #tpu.memory_space<vmem>>, vector<16xi32>,
    %add3A_103 = arith.addi %get3A_102, %broadcast_in_dim3A_9 : vector<16xi32>
    %get3A_104 = arith.index_cast %add3A_100 : i32 to index
    %get3A_105 = tpu.vector_load %arg10[%get3A_104] {strides = array<i32>} : memref<4096xi32, #tpu.memory_space<vmem>>, vector<16xi32>,
    %add3A_106 = arith.addi %get3A_105, %broadcast_in_dim3A_9 : vector<16xi32>
    %gather3A_107 = tpu.vector_load_idx %arg7[%add3A_103] : memref<4096xf32, #tpu.memory_space<vmem>>[vector<16xi32>], vector<16xf32>,
    %gather3A_108 = tpu.vector_load_idx %arg8[%add3A_103] : memref<4096xf32, #tpu.memory_space<vmem>>[vector<16xi32>], vector<16xf32>,
    %mul3A_109 = arith.constant 2.000000e-01 : f32
    %mul3A_110 = vector.broadcast %mul3A_109 : f32 to vector<16xf32>
    %mul3A_111 = arith.mulf %mul3A_110, %gather3A_108 : vector<16xf32>
    %sub3A_112 = arith.subf %mul3A_111, %gather3A_107 : vector<16xf32>
    %add3A_113 = arith.addf %add3A_83, %sub3A_112 : vector<16xf32>
    %gather3A_114 = tpu.vector_load_idx %arg7[%add3A_106] : memref<4096xf32, #tpu.memory_space<vmem>>[vector<16xi32>], vector<16xf32>,
    %gather3A_115 = tpu.vector_load_idx %arg8[%add3A_106] : memref<4096xf32, #tpu.memory_space<vmem>>[vector<16xi32>], vector<16xf32>,
    %sub3A_116 = arith.subf %gather3A_115, %gather3A_114 : vector<16xf32>
    %add3A_117 = arith.addf %add3A_87, %sub3A_116 : vector<16xf32>
    %get3A_118 = arith.index_cast %add3A_100 : i32 to index
    %get3A_119 = tpu.vector_load %arg8[%get3A_118] {strides = array<i32>} : memref<4096xf32, #tpu.memory_space<vmem>>, vector<16xf32>,
    %mul3A_120 = arith.constant 1.200000e-01 : f32
    %mul3A_121 = vector.broadcast %mul3A_120 : f32 to vector<16xf32>
    %mul3A_122 = arith.mulf %mul3A_121, %get3A_119 : vector<16xf32>
    %get3A_123 = arith.index_cast %add3A_100 : i32 to index
    %get3A_124 = tpu.vector_load %arg7[%get3A_123] {strides = array<i32>} : memref<4096xf32, #tpu.memory_space<vmem>>, vector<16xf32>,
    %sub3A_125 = arith.subf %mul3A_122, %get3A_124 : vector<16xf32>
    %add3A_126 = arith.addf %add3A_96, %sub3A_125 : vector<16xf32>
    %broadcast_in_dim3A_127 = arith.constant 2048 : i32
    %broadcast_in_dim3A_128 = vector.broadcast %broadcast_in_dim3A_127 : i32 to vector<16xi32>
    %add3A_129 = arith.constant 2048 : i32
    %add3A_130 = arith.addi %add3A_129, %mul3A_7 : i32
    %add3A_131 = arith.constant 0 : i32
    %add3A_132 = arith.addi %add3A_130, %add3A_131 : i32
    %get3A_133 = arith.index_cast %add3A_132 : i32 to index
    %get3A_134 = tpu.vector_load %arg9[%get3A_133] {strides = array<i32>} : memref<4096xi32, #tpu.memory_space<vmem>>, vector<16xi32>,
    %add3A_135 = arith.addi %get3A_134, %broadcast_in_dim3A_128 : vector<16xi32>
    %get3A_136 = arith.index_cast %add3A_132 : i32 to index
    %get3A_137 = tpu.vector_load %arg10[%get3A_136] {strides = array<i32>} : memref<4096xi32, #tpu.memory_space<vmem>>, vector<16xi32>,
    %add3A_138 = arith.addi %get3A_137, %broadcast_in_dim3A_128 : vector<16xi32>
    %gather3A_139 = tpu.vector_load_idx %arg7[%add3A_135] : memref<4096xf32, #tpu.memory_space<vmem>>[vector<16xi32>], vector<16xf32>,
    %gather3A_140 = tpu.vector_load_idx %arg8[%add3A_135] : memref<4096xf32, #tpu.memory_space<vmem>>[vector<16xi32>], vector<16xf32>,
    %mul3A_141 = arith.constant 2.000000e-01 : f32
    %mul3A_142 = vector.broadcast %mul3A_141 : f32 to vector<16xf32>
    %mul3A_143 = arith.mulf %mul3A_142, %gather3A_140 : vector<16xf32>
    %sub3A_144 = arith.subf %mul3A_143, %gather3A_139 : vector<16xf32>
    %add3A_145 = arith.addf %add3A_113, %sub3A_144 : vector<16xf32>
    %gather3A_146 = tpu.vector_load_idx %arg7[%add3A_138] : memref<4096xf32, #tpu.memory_space<vmem>>[vector<16xi32>], vector<16xf32>,
    %gather3A_147 = tpu.vector_load_idx %arg8[%add3A_138] : memref<4096xf32, #tpu.memory_space<vmem>>[vector<16xi32>], vector<16xf32>,
    %sub3A_148 = arith.subf %gather3A_147, %gather3A_146 : vector<16xf32>
    %add3A_149 = arith.addf %add3A_117, %sub3A_148 : vector<16xf32>
    %get3A_150 = arith.index_cast %add3A_132 : i32 to index
    %get3A_151 = tpu.vector_load %arg8[%get3A_150] {strides = array<i32>} : memref<4096xf32, #tpu.memory_space<vmem>>, vector<16xf32>,
    %mul3A_152 = arith.constant 1.200000e-01 : f32
    %mul3A_153 = vector.broadcast %mul3A_152 : f32 to vector<16xf32>
    %mul3A_154 = arith.mulf %mul3A_153, %get3A_151 : vector<16xf32>
    %get3A_155 = arith.index_cast %add3A_132 : i32 to index
    %get3A_156 = tpu.vector_load %arg7[%get3A_155] {strides = array<i32>} : memref<4096xf32, #tpu.memory_space<vmem>>, vector<16xf32>,
    %sub3A_157 = arith.subf %mul3A_154, %get3A_156 : vector<16xf32>
    %add3A_158 = arith.addf %add3A_126, %sub3A_157 : vector<16xf32>
    %add3A_159 = arith.constant 2048 : i32
    %add3A_160 = arith.addi %add3A_159, %mul3A_7 : i32
    %add3A_161 = arith.constant 16 : i32
    %add3A_162 = arith.addi %add3A_160, %add3A_161 : i32
    %get3A_163 = arith.index_cast %add3A_162 : i32 to index
    %get3A_164 = tpu.vector_load %arg9[%get3A_163] {strides = array<i32>} : memref<4096xi32, #tpu.memory_space<vmem>>, vector<16xi32>,
    %add3A_165 = arith.addi %get3A_164, %broadcast_in_dim3A_128 : vector<16xi32>
    %get3A_166 = arith.index_cast %add3A_162 : i32 to index
    %get3A_167 = tpu.vector_load %arg10[%get3A_166] {strides = array<i32>} : memref<4096xi32, #tpu.memory_space<vmem>>, vector<16xi32>,
    %add3A_168 = arith.addi %get3A_167, %broadcast_in_dim3A_128 : vector<16xi32>
    %gather3A_169 = tpu.vector_load_idx %arg7[%add3A_165] : memref<4096xf32, #tpu.memory_space<vmem>>[vector<16xi32>], vector<16xf32>,
    %gather3A_170 = tpu.vector_load_idx %arg8[%add3A_165] : memref<4096xf32, #tpu.memory_space<vmem>>[vector<16xi32>], vector<16xf32>,
    %mul3A_171 = arith.constant 2.000000e-01 : f32
    %mul3A_172 = vector.broadcast %mul3A_171 : f32 to vector<16xf32>
    %mul3A_173 = arith.mulf %mul3A_172, %gather3A_170 : vector<16xf32>
    %sub3A_174 = arith.subf %mul3A_173, %gather3A_169 : vector<16xf32>
    %add3A_175 = arith.addf %add3A_145, %sub3A_174 : vector<16xf32>
    %gather3A_176 = tpu.vector_load_idx %arg7[%add3A_168] : memref<4096xf32, #tpu.memory_space<vmem>>[vector<16xi32>], vector<16xf32>,
    %gather3A_177 = tpu.vector_load_idx %arg8[%add3A_168] : memref<4096xf32, #tpu.memory_space<vmem>>[vector<16xi32>], vector<16xf32>,
    %sub3A_178 = arith.subf %gather3A_177, %gather3A_176 : vector<16xf32>
    %add3A_179 = arith.addf %add3A_149, %sub3A_178 : vector<16xf32>
    %get3A_180 = arith.index_cast %add3A_162 : i32 to index
    %get3A_181 = tpu.vector_load %arg8[%get3A_180] {strides = array<i32>} : memref<4096xf32, #tpu.memory_space<vmem>>, vector<16xf32>,
    %mul3A_182 = arith.constant 1.200000e-01 : f32
    %mul3A_183 = vector.broadcast %mul3A_182 : f32 to vector<16xf32>
    %mul3A_184 = arith.mulf %mul3A_183, %get3A_181 : vector<16xf32>
    %get3A_185 = arith.index_cast %add3A_162 : i32 to index
    %get3A_186 = tpu.vector_load %arg7[%get3A_185] {strides = array<i32>} : memref<4096xf32, #tpu.memory_space<vmem>>, vector<16xf32>,
    %sub3A_187 = arith.subf %mul3A_184, %get3A_186 : vector<16xf32>
    %add3A_188 = arith.addf %add3A_158, %sub3A_187 : vector<16xf32>
    %add3A_189 = arith.constant 2048 : i32
    %add3A_190 = arith.addi %add3A_189, %mul3A_7 : i32
    %add3A_191 = arith.constant 32 : i32
    %add3A_192 = arith.addi %add3A_190, %add3A_191 : i32
    %get3A_193 = arith.index_cast %add3A_192 : i32 to index
    %get3A_194 = tpu.vector_load %arg9[%get3A_193] {strides = array<i32>} : memref<4096xi32, #tpu.memory_space<vmem>>, vector<16xi32>,
    %add3A_195 = arith.addi %get3A_194, %broadcast_in_dim3A_128 : vector<16xi32>
    %get3A_196 = arith.index_cast %add3A_192 : i32 to index
    %get3A_197 = tpu.vector_load %arg10[%get3A_196] {strides = array<i32>} : memref<4096xi32, #tpu.memory_space<vmem>>, vector<16xi32>,
    %add3A_198 = arith.addi %get3A_197, %broadcast_in_dim3A_128 : vector<16xi32>
    %gather3A_199 = tpu.vector_load_idx %arg7[%add3A_195] : memref<4096xf32, #tpu.memory_space<vmem>>[vector<16xi32>], vector<16xf32>,
    %gather3A_200 = tpu.vector_load_idx %arg8[%add3A_195] : memref<4096xf32, #tpu.memory_space<vmem>>[vector<16xi32>], vector<16xf32>,
    %mul3A_201 = arith.constant 2.000000e-01 : f32
    %mul3A_202 = vector.broadcast %mul3A_201 : f32 to vector<16xf32>
    %mul3A_203 = arith.mulf %mul3A_202, %gather3A_200 : vector<16xf32>
    %sub3A_204 = arith.subf %mul3A_203, %gather3A_199 : vector<16xf32>
    %add3A_205 = arith.addf %add3A_175, %sub3A_204 : vector<16xf32>
    %gather3A_206 = tpu.vector_load_idx %arg7[%add3A_198] : memref<4096xf32, #tpu.memory_space<vmem>>[vector<16xi32>], vector<16xf32>,
    %gather3A_207 = tpu.vector_load_idx %arg8[%add3A_198] : memref<4096xf32, #tpu.memory_space<vmem>>[vector<16xi32>], vector<16xf32>,
    %sub3A_208 = arith.subf %gather3A_207, %gather3A_206 : vector<16xf32>
    %add3A_209 = arith.addf %add3A_179, %sub3A_208 : vector<16xf32>
    %get3A_210 = arith.index_cast %add3A_192 : i32 to index
    %get3A_211 = tpu.vector_load %arg8[%get3A_210] {strides = array<i32>} : memref<4096xf32, #tpu.memory_space<vmem>>, vector<16xf32>,
    %mul3A_212 = arith.constant 1.200000e-01 : f32
    %mul3A_213 = vector.broadcast %mul3A_212 : f32 to vector<16xf32>
    %mul3A_214 = arith.mulf %mul3A_213, %get3A_211 : vector<16xf32>
    %get3A_215 = arith.index_cast %add3A_192 : i32 to index
    %get3A_216 = tpu.vector_load %arg7[%get3A_215] {strides = array<i32>} : memref<4096xf32, #tpu.memory_space<vmem>>, vector<16xf32>,
    %sub3A_217 = arith.subf %mul3A_214, %get3A_216 : vector<16xf32>
    %add3A_218 = arith.addf %add3A_188, %sub3A_217 : vector<16xf32>
    %add3A_219 = arith.constant 2048 : i32
    %add3A_220 = arith.addi %add3A_219, %mul3A_7 : i32
    %add3A_221 = arith.constant 48 : i32
    %add3A_222 = arith.addi %add3A_220, %add3A_221 : i32
    %get3A_223 = arith.index_cast %add3A_222 : i32 to index
    %get3A_224 = tpu.vector_load %arg9[%get3A_223] {strides = array<i32>} : memref<4096xi32, #tpu.memory_space<vmem>>, vector<16xi32>,
    %add3A_225 = arith.addi %get3A_224, %broadcast_in_dim3A_128 : vector<16xi32>
    %get3A_226 = arith.index_cast %add3A_222 : i32 to index
    %get3A_227 = tpu.vector_load %arg10[%get3A_226] {strides = array<i32>} : memref<4096xi32, #tpu.memory_space<vmem>>, vector<16xi32>,
    %add3A_228 = arith.addi %get3A_227, %broadcast_in_dim3A_128 : vector<16xi32>
    %gather3A_229 = tpu.vector_load_idx %arg7[%add3A_225] : memref<4096xf32, #tpu.memory_space<vmem>>[vector<16xi32>], vector<16xf32>,
    %gather3A_230 = tpu.vector_load_idx %arg8[%add3A_225] : memref<4096xf32, #tpu.memory_space<vmem>>[vector<16xi32>], vector<16xf32>,
    %mul3A_231 = arith.constant 2.000000e-01 : f32
    %mul3A_232 = vector.broadcast %mul3A_231 : f32 to vector<16xf32>
    %mul3A_233 = arith.mulf %mul3A_232, %gather3A_230 : vector<16xf32>
    %sub3A_234 = arith.subf %mul3A_233, %gather3A_229 : vector<16xf32>
    %add3A_235 = arith.addf %add3A_205, %sub3A_234 : vector<16xf32>
    %gather3A_236 = tpu.vector_load_idx %arg7[%add3A_228] : memref<4096xf32, #tpu.memory_space<vmem>>[vector<16xi32>], vector<16xf32>,
    %gather3A_237 = tpu.vector_load_idx %arg8[%add3A_228] : memref<4096xf32, #tpu.memory_space<vmem>>[vector<16xi32>], vector<16xf32>,
    %sub3A_238 = arith.subf %gather3A_237, %gather3A_236 : vector<16xf32>
    %add3A_239 = arith.addf %add3A_209, %sub3A_238 : vector<16xf32>
    %get3A_240 = arith.index_cast %add3A_222 : i32 to index
    %get3A_241 = tpu.vector_load %arg8[%get3A_240] {strides = array<i32>} : memref<4096xf32, #tpu.memory_space<vmem>>, vector<16xf32>,
    %mul3A_242 = arith.constant 1.200000e-01 : f32
    %mul3A_243 = vector.broadcast %mul3A_242 : f32 to vector<16xf32>
    %mul3A_244 = arith.mulf %mul3A_243, %get3A_241 : vector<16xf32>
    %get3A_245 = arith.index_cast %add3A_222 : i32 to index
    %get3A_246 = tpu.vector_load %arg7[%get3A_245] {strides = array<i32>} : memref<4096xf32, #tpu.memory_space<vmem>>, vector<16xf32>,
    %sub3A_247 = arith.subf %mul3A_244, %get3A_246 : vector<16xf32>
    %add3A_248 = arith.addf %add3A_218, %sub3A_247 : vector<16xf32>
    %swap3A = arith.constant 0 : index
    %swap3A_249 = tpu.vector_load %arg11[%swap3A] {strides = array<i32>} : memref<48xf32, #tpu.memory_space<vmem>>, vector<16xf32>,
    tpu.vector_store %arg11[%swap3A], %add3A_248 {strides = array<i32>} : memref<48xf32, #tpu.memory_space<vmem>>, vector<16xf32>,
    %swap3A_250 = arith.constant 16 : index
    %swap3A_251 = tpu.vector_load %arg11[%swap3A_250] {strides = array<i32>} : memref<48xf32, #tpu.memory_space<vmem>>, vector<16xf32>,
    tpu.vector_store %arg11[%swap3A_250], %add3A_235 {strides = array<i32>} : memref<48xf32, #tpu.memory_space<vmem>>, vector<16xf32>,
    %swap3A_252 = arith.constant 32 : index
    %swap3A_253 = tpu.vector_load %arg11[%swap3A_252] {strides = array<i32>} : memref<48xf32, #tpu.memory_space<vmem>>, vector<16xf32>,
    tpu.vector_store %arg11[%swap3A_252], %add3A_239 {strides = array<i32>} : memref<48xf32, #tpu.memory_space<vmem>>, vector<16xf32>,
    "tpu.region"() ({
      %run_scoped3A = tpu.sem_alloc : memref<!tpu.dma_semaphore, #tpu.memory_space<semaphore_mem>>
      %dma_start3A = arith.constant 0 : i32
      %dma_start3A_254 = tpu.memref_slice %arg6[%add3A, %dma_start3A] : memref<32x48xf32, #tpu.memory_space<hbm>> -> memref<1x48xf32, #tpu.memory_space<hbm>>
      %dma_start3A_255 = tpu.memref_squeeze %dma_start3A_254 : memref<1x48xf32, #tpu.memory_space<hbm>> -> memref<48xf32, #tpu.memory_space<hbm>>
      %dma_start3A_256 = arith.constant 0 : i32
      %dma_start3A_257 = tpu.memref_slice %arg6[%add3A, %dma_start3A_256] : memref<32x48xf32, #tpu.memory_space<hbm>> -> memref<1x48xf32, #tpu.memory_space<hbm>>
      %dma_start3A_258 = tpu.memref_squeeze %dma_start3A_257 : memref<1x48xf32, #tpu.memory_space<hbm>> -> memref<48xf32, #tpu.memory_space<hbm>>
      tpu.enqueue_dma source(%arg11 : memref<48xf32, #tpu.memory_space<vmem>>) target(%dma_start3A_258 : memref<48xf32, #tpu.memory_space<hbm>>) target_semaphore(%run_scoped3A : memref<!tpu.dma_semaphore, #tpu.memory_space<semaphore_mem>>)
      %dma_wait3A = arith.constant 0 : i32
      %dma_wait3A_259 = tpu.memref_slice %arg6[%add3A, %dma_wait3A] : memref<32x48xf32, #tpu.memory_space<hbm>> -> memref<1x48xf32, #tpu.memory_space<hbm>>
      %dma_wait3A_260 = tpu.memref_squeeze %dma_wait3A_259 : memref<1x48xf32, #tpu.memory_space<hbm>> -> memref<48xf32, #tpu.memory_space<hbm>>
      %dma_wait3A_261 = arith.constant 0 : i32
      %dma_wait3A_262 = tpu.memref_slice %arg6[%add3A, %dma_wait3A_261] : memref<32x48xf32, #tpu.memory_space<hbm>> -> memref<1x48xf32, #tpu.memory_space<hbm>>
      %dma_wait3A_263 = tpu.memref_squeeze %dma_wait3A_262 : memref<1x48xf32, #tpu.memory_space<hbm>> -> memref<48xf32, #tpu.memory_space<hbm>>
      tpu.wait_dma2 semaphore(%run_scoped3A : memref<!tpu.dma_semaphore, #tpu.memory_space<semaphore_mem>>) src(%arg11 : memref<48xf32, #tpu.memory_space<vmem>>) dst(%dma_wait3A_263 : memref<48xf32, #tpu.memory_space<hbm>>)
      tpu.yield
    }) : () -> ()
    return
  }
}

module attributes {stable_mosaic.version = 14 : i64} {
  func.func @_tc_kernel(%arg0: i32, %arg1: i32, %arg2: memref<1x384x2048xf32, #tpu.memory_space<vmem>>, %arg3: memref<1x96x2048xf32, #tpu.memory_space<vmem>>, %arg4: memref<1x256x384xf32, #tpu.memory_space<vmem>>, %arg5: memref<1x256x96xf32, #tpu.memory_space<vmem>>, %arg6: memref<1x1x2048xf32, #tpu.memory_space<vmem>>, %arg7: memref<1x1x2048xf32, #tpu.memory_space<vmem>>, %arg8: memref<1x1x256x1xi32, #tpu.memory_space<vmem>>, %arg9: memref<1x1x256x1xi32, #tpu.memory_space<vmem>>, %arg10: memref<1x1x256x16xi32, #tpu.memory_space<vmem>>, %arg11: memref<384x2048xbf16, #tpu.memory_space<vmem>>, %arg12: memref<96x2048xbf16, #tpu.memory_space<vmem>>, %arg13: memref<1x2048xf32, #tpu.memory_space<vmem>>, %arg14: memref<1x2048xf32, #tpu.memory_space<vmem>>) attributes {dimension_semantics = [#tpu.dimension_semantics<arbitrary>, #tpu.dimension_semantics<arbitrary>], iteration_bounds = array<i64: 2, 8>, scalar_prefetch = 0 : i64, scratch_operands = 4 : i64, tpu.core_type = #tpu.core_type<tc>, window_params = [{transform_indices = @transform_0, window_bounds = array<i64: 1, 384, 2048>}, {transform_indices = @transform_1, window_bounds = array<i64: 1, 96, 2048>}, {transform_indices = @transform_2, window_bounds = array<i64: 1, 256, 384>}, {transform_indices = @transform_3, window_bounds = array<i64: 1, 256, 96>}, {transform_indices = @transform_4, window_bounds = array<i64: 1, 1, 2048>}, {transform_indices = @transform_5, window_bounds = array<i64: 1, 1, 2048>}, {transform_indices = @transform_6, window_bounds = array<i64: 1, 1, 256, 1>}, {transform_indices = @transform_7, window_bounds = array<i64: 1, 1, 256, 1>}, {transform_indices = @transform_8, window_bounds = array<i64: 1, 1, 256, 16>}]} {
    %eq3A = arith.constant 0 : i32
    %eq3A_0 = arith.cmpi eq, %arg1, %eq3A : i32
    %convert_element_type3A = arith.extui %eq3A_0 : i1 to i32
    %cond3A = arith.constant 0 : i32
    %cond3A_1 = arith.cmpi ne, %convert_element_type3A, %cond3A : i32
    scf.if %cond3A_1 {
      %get3A_279 = arith.constant 0 : index
      %get3A_280 = arith.constant 0 : index
      %get3A_281 = arith.constant 0 : index
      %get3A_282 = vector.load %arg2[%get3A_279, %get3A_280, %get3A_281] : memref<1x384x2048xf32, #tpu.memory_space<vmem>>, vector<1x384x2048xf32>
      %get3A_283 = vector.shape_cast %get3A_282 : vector<1x384x2048xf32> to vector<384x2048xf32>
      %mul3A_284 = arith.mulf %get3A_283, %get3A_283 : vector<384x2048xf32>
      %reduce_sum3A_285 = arith.constant dense<0.000000e+00> : vector<2048xf32>
      %reduce_sum3A_286 = vector.multi_reduction <add>, %mul3A_284, %reduce_sum3A_285 [0] : vector<384x2048xf32> to vector<2048xf32>
      %broadcast_in_dim3A_287 = vector.shape_cast %reduce_sum3A_286 : vector<2048xf32> to vector<1x2048xf32>
      %sqrt3A_288 = math.sqrt %broadcast_in_dim3A_287 : vector<1x2048xf32>
      %max3A_289 = arith.constant 9.99999996E-13 : f32
      %max3A_290 = vector.broadcast %max3A_289 : f32 to vector<1x2048xf32>
      %max3A_291 = arith.maximumf %sqrt3A_288, %max3A_290 : vector<1x2048xf32>
      %div3A_292 = arith.constant 1.000000e+00 : f32
      %div3A_293 = vector.broadcast %div3A_292 : f32 to vector<1x2048xf32>
      %div3A_294 = arith.divf %div3A_293, %max3A_291 : vector<1x2048xf32>
      %mul3A_295 = vector.broadcast %div3A_294 : vector<1x2048xf32> to vector<384x2048xf32>
      %mul3A_296 = arith.mulf %get3A_283, %mul3A_295 : vector<384x2048xf32>
      %mul3A_297 = arith.mulf %mul3A_296, %mul3A_296 : vector<384x2048xf32>
      %reduce_sum3A_298 = arith.constant dense<0.000000e+00> : vector<2048xf32>
      %reduce_sum3A_299 = vector.multi_reduction <add>, %mul3A_297, %reduce_sum3A_298 [0] : vector<384x2048xf32> to vector<2048xf32>
      %broadcast_in_dim3A_300 = vector.shape_cast %reduce_sum3A_299 : vector<2048xf32> to vector<1x2048xf32>
      %swap3A_301 = arith.constant 0 : index
      %swap3A_302 = arith.constant 0 : index
      %swap3A_303 = vector.load %arg13[%swap3A_301, %swap3A_302] : memref<1x2048xf32, #tpu.memory_space<vmem>>, vector<1x2048xf32>
      tpu.vector_store %arg13[%swap3A_301, %swap3A_302], %broadcast_in_dim3A_300 {strides = array<i32>} : memref<1x2048xf32, #tpu.memory_space<vmem>>, vector<1x2048xf32>,
      %convert_element_type3A_304 = arith.truncf %mul3A_296 : vector<384x2048xf32> to vector<384x2048xbf16>
      %swap3A_305 = arith.constant 0 : index
      %swap3A_306 = arith.constant 0 : index
      %swap3A_307 = vector.load %arg11[%swap3A_305, %swap3A_306] : memref<384x2048xbf16, #tpu.memory_space<vmem>>, vector<384x2048xbf16>
      tpu.vector_store %arg11[%swap3A_305, %swap3A_306], %convert_element_type3A_304 {strides = array<i32>} : memref<384x2048xbf16, #tpu.memory_space<vmem>>, vector<384x2048xbf16>,
      %get3A_308 = arith.constant 0 : index
      %get3A_309 = arith.constant 0 : index
      %get3A_310 = arith.constant 0 : index
      %get3A_311 = vector.load %arg3[%get3A_308, %get3A_309, %get3A_310] : memref<1x96x2048xf32, #tpu.memory_space<vmem>>, vector<1x96x2048xf32>
      %get3A_312 = vector.shape_cast %get3A_311 : vector<1x96x2048xf32> to vector<96x2048xf32>
      %mul3A_313 = arith.mulf %get3A_312, %get3A_312 : vector<96x2048xf32>
      %reduce_sum3A_314 = arith.constant dense<0.000000e+00> : vector<2048xf32>
      %reduce_sum3A_315 = vector.multi_reduction <add>, %mul3A_313, %reduce_sum3A_314 [0] : vector<96x2048xf32> to vector<2048xf32>
      %broadcast_in_dim3A_316 = vector.shape_cast %reduce_sum3A_315 : vector<2048xf32> to vector<1x2048xf32>
      %swap3A_317 = arith.constant 0 : index
      %swap3A_318 = arith.constant 0 : index
      %swap3A_319 = vector.load %arg14[%swap3A_317, %swap3A_318] : memref<1x2048xf32, #tpu.memory_space<vmem>>, vector<1x2048xf32>
      tpu.vector_store %arg14[%swap3A_317, %swap3A_318], %broadcast_in_dim3A_316 {strides = array<i32>} : memref<1x2048xf32, #tpu.memory_space<vmem>>, vector<1x2048xf32>,
      %convert_element_type3A_320 = arith.truncf %get3A_312 : vector<96x2048xf32> to vector<96x2048xbf16>
      %swap3A_321 = arith.constant 0 : index
      %swap3A_322 = arith.constant 0 : index
      %swap3A_323 = vector.load %arg12[%swap3A_321, %swap3A_322] : memref<96x2048xbf16, #tpu.memory_space<vmem>>, vector<96x2048xbf16>
      tpu.vector_store %arg12[%swap3A_321, %swap3A_322], %convert_element_type3A_320 {strides = array<i32>} : memref<96x2048xbf16, #tpu.memory_space<vmem>>, vector<96x2048xbf16>,
      %broadcast_in_dim3A_324 = arith.constant 0.000000e+00 : f32
      %broadcast_in_dim3A_325 = vector.broadcast %broadcast_in_dim3A_324 : f32 to vector<1x2048xf32>
      %swap3A_326 = arith.constant 0 : index
      %swap3A_327 = arith.constant 0 : index
      %swap3A_328 = arith.constant 0 : index
      %swap3A_329 = vector.load %arg6[%swap3A_326, %swap3A_327, %swap3A_328] : memref<1x1x2048xf32, #tpu.memory_space<vmem>>, vector<1x1x2048xf32>
      %swap3A_330 = vector.shape_cast %swap3A_329 : vector<1x1x2048xf32> to vector<1x2048xf32>
      %swap3A_331 = vector.shape_cast %broadcast_in_dim3A_325 : vector<1x2048xf32> to vector<1x1x2048xf32>
      tpu.vector_store %arg6[%swap3A_326, %swap3A_327, %swap3A_328], %swap3A_331 {strides = array<i32>} : memref<1x1x2048xf32, #tpu.memory_space<vmem>>, vector<1x1x2048xf32>,
      %broadcast_in_dim3A_332 = arith.constant 0.000000e+00 : f32
      %broadcast_in_dim3A_333 = vector.broadcast %broadcast_in_dim3A_332 : f32 to vector<1x2048xf32>
      %swap3A_334 = arith.constant 0 : index
      %swap3A_335 = arith.constant 0 : index
      %swap3A_336 = arith.constant 0 : index
      %swap3A_337 = vector.load %arg7[%swap3A_334, %swap3A_335, %swap3A_336] : memref<1x1x2048xf32, #tpu.memory_space<vmem>>, vector<1x1x2048xf32>
      %swap3A_338 = vector.shape_cast %swap3A_337 : vector<1x1x2048xf32> to vector<1x2048xf32>
      %swap3A_339 = vector.shape_cast %broadcast_in_dim3A_333 : vector<1x2048xf32> to vector<1x1x2048xf32>
      tpu.vector_store %arg7[%swap3A_334, %swap3A_335, %swap3A_336], %swap3A_339 {strides = array<i32>} : memref<1x1x2048xf32, #tpu.memory_space<vmem>>, vector<1x1x2048xf32>,
    } else {
    }
    %get3A = arith.constant 0 : index
    %get3A_2 = arith.constant 0 : index
    %get3A_3 = arith.constant 0 : index
    %get3A_4 = vector.load %arg4[%get3A, %get3A_2, %get3A_3] : memref<1x256x384xf32, #tpu.memory_space<vmem>>, vector<1x256x384xf32>
    %get3A_5 = vector.shape_cast %get3A_4 : vector<1x256x384xf32> to vector<256x384xf32>
    %mul3A = arith.mulf %get3A_5, %get3A_5 : vector<256x384xf32>
    %reduce_sum3A = arith.constant dense<0.000000e+00> : vector<256xf32>
    %reduce_sum3A_6 = vector.multi_reduction <add>, %mul3A, %reduce_sum3A [1] : vector<256x384xf32> to vector<256xf32>
    %broadcast_in_dim3A = vector.shape_cast %reduce_sum3A_6 : vector<256xf32> to vector<256x1xf32>
    %sqrt3A = math.sqrt %broadcast_in_dim3A : vector<256x1xf32>
    %max3A = arith.constant 9.99999996E-13 : f32
    %max3A_7 = vector.broadcast %max3A : f32 to vector<256x1xf32>
    %max3A_8 = arith.maximumf %sqrt3A, %max3A_7 : vector<256x1xf32>
    %div3A = arith.constant 1.000000e+00 : f32
    %div3A_9 = vector.broadcast %div3A : f32 to vector<256x1xf32>
    %div3A_10 = arith.divf %div3A_9, %max3A_8 : vector<256x1xf32>
    %mul3A_11 = vector.broadcast %div3A_10 : vector<256x1xf32> to vector<256x384xf32>
    %mul3A_12 = arith.mulf %get3A_5, %mul3A_11 : vector<256x384xf32>
    %mul3A_13 = arith.mulf %mul3A_12, %mul3A_12 : vector<256x384xf32>
    %reduce_sum3A_14 = arith.constant dense<0.000000e+00> : vector<256xf32>
    %reduce_sum3A_15 = vector.multi_reduction <add>, %mul3A_13, %reduce_sum3A_14 [1] : vector<256x384xf32> to vector<256xf32>
    %broadcast_in_dim3A_16 = vector.shape_cast %reduce_sum3A_15 : vector<256xf32> to vector<256x1xf32>
    %get3A_17 = arith.constant 0 : index
    %get3A_18 = arith.constant 0 : index
    %get3A_19 = arith.constant 0 : index
    %get3A_20 = vector.load %arg5[%get3A_17, %get3A_18, %get3A_19] : memref<1x256x96xf32, #tpu.memory_space<vmem>>, vector<1x256x96xf32>
    %get3A_21 = vector.shape_cast %get3A_20 : vector<1x256x96xf32> to vector<256x96xf32>
    %mul3A_22 = arith.mulf %get3A_21, %get3A_21 : vector<256x96xf32>
    %reduce_sum3A_23 = arith.constant dense<0.000000e+00> : vector<256xf32>
    %reduce_sum3A_24 = vector.multi_reduction <add>, %mul3A_22, %reduce_sum3A_23 [1] : vector<256x96xf32> to vector<256xf32>
    %broadcast_in_dim3A_25 = vector.shape_cast %reduce_sum3A_24 : vector<256xf32> to vector<256x1xf32>
    %convert_element_type3A_26 = arith.truncf %mul3A_12 : vector<256x384xf32> to vector<256x384xbf16>
    %get3A_27 = arith.constant 0 : index
    %get3A_28 = arith.constant 0 : index
    %get3A_29 = vector.load %arg11[%get3A_27, %get3A_28] : memref<384x2048xbf16, #tpu.memory_space<vmem>>, vector<384x2048xbf16>
    %dot_general3A = arith.constant dense<0.000000e+00> : vector<256x2048xf32>
    %dot_general3A_30 = tpu.matmul %convert_element_type3A_26, %get3A_29, %dot_general3A {dimension_numbers = #tpu.dot_dimension_numbers<[1], [0], [0], [1], [0, 0, 1, 1], [], []>, transpose_lhs_hint = false} : vector<256x384xbf16>, vector<384x2048xbf16>, vector<256x2048xf32> -> vector<256x2048xf32>
    %convert_element_type3A_31 = arith.truncf %get3A_21 : vector<256x96xf32> to vector<256x96xbf16>
    %get3A_32 = arith.constant 0 : index
    %get3A_33 = arith.constant 0 : index
    %get3A_34 = vector.load %arg12[%get3A_32, %get3A_33] : memref<96x2048xbf16, #tpu.memory_space<vmem>>, vector<96x2048xbf16>
    %dot_general3A_35 = arith.constant dense<0.000000e+00> : vector<256x2048xf32>
    %dot_general3A_36 = tpu.matmul %convert_element_type3A_31, %get3A_34, %dot_general3A_35 {dimension_numbers = #tpu.dot_dimension_numbers<[1], [0], [0], [1], [0, 0, 1, 1], [], []>, transpose_lhs_hint = false} : vector<256x96xbf16>, vector<96x2048xbf16>, vector<256x2048xf32> -> vector<256x2048xf32>
    %get3A_37 = arith.constant 0 : index
    %get3A_38 = arith.constant 0 : index
    %get3A_39 = vector.load %arg13[%get3A_37, %get3A_38] : memref<1x2048xf32, #tpu.memory_space<vmem>>, vector<1x2048xf32>
    %add3A = vector.broadcast %broadcast_in_dim3A_16 : vector<256x1xf32> to vector<256x2048xf32>
    %add3A_40 = vector.broadcast %get3A_39 : vector<1x2048xf32> to vector<256x2048xf32>
    %add3A_41 = arith.addf %add3A, %add3A_40 : vector<256x2048xf32>
    %mul3A_42 = arith.constant 2.000000e+00 : f32
    %mul3A_43 = vector.broadcast %mul3A_42 : f32 to vector<256x2048xf32>
    %mul3A_44 = arith.mulf %mul3A_43, %dot_general3A_30 : vector<256x2048xf32>
    %sub3A = arith.subf %add3A_41, %mul3A_44 : vector<256x2048xf32>
    %max3A_45 = arith.constant 0.000000e+00 : f32
    %max3A_46 = vector.broadcast %max3A_45 : f32 to vector<256x2048xf32>
    %max3A_47 = arith.maximumf %sub3A, %max3A_46 : vector<256x2048xf32>
    %get3A_48 = arith.constant 0 : index
    %get3A_49 = arith.constant 0 : index
    %get3A_50 = vector.load %arg14[%get3A_48, %get3A_49] : memref<1x2048xf32, #tpu.memory_space<vmem>>, vector<1x2048xf32>
    %add3A_51 = vector.broadcast %broadcast_in_dim3A_25 : vector<256x1xf32> to vector<256x2048xf32>
    %add3A_52 = vector.broadcast %get3A_50 : vector<1x2048xf32> to vector<256x2048xf32>
    %add3A_53 = arith.addf %add3A_51, %add3A_52 : vector<256x2048xf32>
    %mul3A_54 = arith.constant 2.000000e+00 : f32
    %mul3A_55 = vector.broadcast %mul3A_54 : f32 to vector<256x2048xf32>
    %mul3A_56 = arith.mulf %mul3A_55, %dot_general3A_36 : vector<256x2048xf32>
    %sub3A_57 = arith.subf %add3A_53, %mul3A_56 : vector<256x2048xf32>
    %max3A_58 = arith.constant 0.000000e+00 : f32
    %max3A_59 = vector.broadcast %max3A_58 : f32 to vector<256x2048xf32>
    %max3A_60 = arith.maximumf %sub3A_57, %max3A_59 : vector<256x2048xf32>
    %max3A_61 = arith.constant 9.99999974E-6 : f32
    %max3A_62 = vector.broadcast %max3A_61 : f32 to vector<256x2048xf32>
    %max3A_63 = arith.maximumf %max3A_60, %max3A_62 : vector<256x2048xf32>
    %get3A_64 = arith.constant 0 : index
    %get3A_65 = arith.constant 0 : index
    %get3A_66 = arith.constant 0 : index
    %get3A_67 = vector.load %arg6[%get3A_64, %get3A_65, %get3A_66] : memref<1x1x2048xf32, #tpu.memory_space<vmem>>, vector<1x1x2048xf32>
    %get3A_68 = vector.shape_cast %get3A_67 : vector<1x1x2048xf32> to vector<1x2048xf32>
    %mul3A_69 = arith.mulf %max3A_63, %max3A_47 : vector<256x2048xf32>
    %reduce_sum3A_70 = arith.constant dense<0.000000e+00> : vector<2048xf32>
    %reduce_sum3A_71 = vector.multi_reduction <add>, %mul3A_69, %reduce_sum3A_70 [0] : vector<256x2048xf32> to vector<2048xf32>
    %broadcast_in_dim3A_72 = vector.shape_cast %reduce_sum3A_71 : vector<2048xf32> to vector<1x2048xf32>
    %add3A_73 = arith.addf %get3A_68, %broadcast_in_dim3A_72 : vector<1x2048xf32>
    %swap3A = arith.constant 0 : index
    %swap3A_74 = arith.constant 0 : index
    %swap3A_75 = arith.constant 0 : index
    %swap3A_76 = vector.load %arg6[%swap3A, %swap3A_74, %swap3A_75] : memref<1x1x2048xf32, #tpu.memory_space<vmem>>, vector<1x1x2048xf32>
    %swap3A_77 = vector.shape_cast %swap3A_76 : vector<1x1x2048xf32> to vector<1x2048xf32>
    %swap3A_78 = vector.shape_cast %add3A_73 : vector<1x2048xf32> to vector<1x1x2048xf32>
    tpu.vector_store %arg6[%swap3A, %swap3A_74, %swap3A_75], %swap3A_78 {strides = array<i32>} : memref<1x1x2048xf32, #tpu.memory_space<vmem>>, vector<1x1x2048xf32>,
    %get3A_79 = arith.constant 0 : index
    %get3A_80 = arith.constant 0 : index
    %get3A_81 = arith.constant 0 : index
    %get3A_82 = vector.load %arg7[%get3A_79, %get3A_80, %get3A_81] : memref<1x1x2048xf32, #tpu.memory_space<vmem>>, vector<1x1x2048xf32>
    %get3A_83 = vector.shape_cast %get3A_82 : vector<1x1x2048xf32> to vector<1x2048xf32>
    %reduce_sum3A_84 = arith.constant dense<0.000000e+00> : vector<2048xf32>
    %reduce_sum3A_85 = vector.multi_reduction <add>, %max3A_63, %reduce_sum3A_84 [0] : vector<256x2048xf32> to vector<2048xf32>
    %broadcast_in_dim3A_86 = vector.shape_cast %reduce_sum3A_85 : vector<2048xf32> to vector<1x2048xf32>
    %add3A_87 = arith.addf %get3A_83, %broadcast_in_dim3A_86 : vector<1x2048xf32>
    %swap3A_88 = arith.constant 0 : index
    %swap3A_89 = arith.constant 0 : index
    %swap3A_90 = arith.constant 0 : index
    %swap3A_91 = vector.load %arg7[%swap3A_88, %swap3A_89, %swap3A_90] : memref<1x1x2048xf32, #tpu.memory_space<vmem>>, vector<1x1x2048xf32>
    %swap3A_92 = vector.shape_cast %swap3A_91 : vector<1x1x2048xf32> to vector<1x2048xf32>
    %swap3A_93 = vector.shape_cast %add3A_87 : vector<1x2048xf32> to vector<1x1x2048xf32>
    tpu.vector_store %arg7[%swap3A_88, %swap3A_89, %swap3A_90], %swap3A_93 {strides = array<i32>} : memref<1x1x2048xf32, #tpu.memory_space<vmem>>, vector<1x1x2048xf32>,
    %iota3A = tpu.iota {dimensions = array<i32: 1>} : vector<256x2048xi32>
    %mul3A_94 = arith.constant 256 : i32
    %mul3A_95 = arith.muli %arg1, %mul3A_94 : i32
    %iota3A_96 = tpu.iota {dimensions = array<i32: 0>} : vector<256x1xi32>
    %add3A_97 = vector.broadcast %mul3A_95 : i32 to vector<256x1xi32>
    %add3A_98 = arith.addi %add3A_97, %iota3A_96 : vector<256x1xi32>
    %eq3A_99 = vector.broadcast %add3A_98 : vector<256x1xi32> to vector<256x2048xi32>
    %eq3A_100 = arith.cmpi eq, %iota3A, %eq3A_99 : vector<256x2048xi32>
    %jit3A = arith.constant 0x7F800000 : f32
    %broadcast_in_dim3A_101 = vector.broadcast %jit3A : f32 to vector<256x2048xf32>
    %select_n3A = arith.select %eq3A_100, %broadcast_in_dim3A_101, %max3A_47 : vector<256x2048xi1>, vector<256x2048xf32>
    %argmin3A = tpu.reduce_index %select_n3A {axis = 1 : i32, kind = #tpu.reduction_kind<arg_min>} : vector<256x2048xf32> -> vector<256xi32>
    %neg3A = arith.constant 0.000000e+00 : f32
    %neg3A_102 = arith.constant 0x7F800000 : f32
    %neg3A_103 = arith.subf %neg3A, %neg3A_102 : f32
    %broadcast_in_dim3A_104 = vector.broadcast %neg3A_103 : f32 to vector<256x2048xf32>
    %select_n3A_105 = arith.select %eq3A_100, %broadcast_in_dim3A_104, %max3A_47 : vector<256x2048xi1>, vector<256x2048xf32>
    %argmax3A = tpu.reduce_index %select_n3A_105 {axis = 1 : i32, kind = #tpu.reduction_kind<arg_max>} : vector<256x2048xf32> -> vector<256xi32>
    %reshape3A = vector.shape_cast %argmin3A : vector<256xi32> to vector<1x1x256x1xi32>
    %swap3A_106 = arith.constant 0 : index
    %swap3A_107 = arith.constant 0 : index
    %swap3A_108 = arith.constant 0 : index
    %swap3A_109 = arith.constant 0 : index
    %swap3A_110 = vector.load %arg8[%swap3A_106, %swap3A_107, %swap3A_108, %swap3A_109] : memref<1x1x256x1xi32, #tpu.memory_space<vmem>>, vector<1x1x256x1xi32>
    tpu.vector_store %arg8[%swap3A_106, %swap3A_107, %swap3A_108, %swap3A_109], %reshape3A {strides = array<i32>} : memref<1x1x256x1xi32, #tpu.memory_space<vmem>>, vector<1x1x256x1xi32>,
    %reshape3A_111 = vector.shape_cast %argmax3A : vector<256xi32> to vector<1x1x256x1xi32>
    %swap3A_112 = arith.constant 0 : index
    %swap3A_113 = arith.constant 0 : index
    %swap3A_114 = arith.constant 0 : index
    %swap3A_115 = arith.constant 0 : index
    %swap3A_116 = vector.load %arg9[%swap3A_112, %swap3A_113, %swap3A_114, %swap3A_115] : memref<1x1x256x1xi32, #tpu.memory_space<vmem>>, vector<1x1x256x1xi32>
    tpu.vector_store %arg9[%swap3A_112, %swap3A_113, %swap3A_114, %swap3A_115], %reshape3A_111 {strides = array<i32>} : memref<1x1x256x1xi32, #tpu.memory_space<vmem>>, vector<1x1x256x1xi32>,
    %add3A_117 = arith.addf %max3A_47, %max3A_60 : vector<256x2048xf32>
    %neg3A_118 = arith.constant 0.000000e+00 : f32
    %neg3A_119 = vector.broadcast %neg3A_118 : f32 to vector<256x2048xf32>
    %neg3A_120 = arith.subf %neg3A_119, %add3A_117 : vector<256x2048xf32>
    %argmax3A_121 = tpu.reduce_index %neg3A_120 {axis = 1 : i32, kind = #tpu.reduction_kind<arg_max>} : vector<256x2048xf32> -> vector<256xi32>
    %reshape3A_122 = vector.shape_cast %argmax3A_121 : vector<256xi32> to vector<256x1xi32>
    %reshape3A_123 = vector.shape_cast %argmax3A_121 : vector<256xi32> to vector<256x1xi32>
    %eq3A_124 = vector.broadcast %reshape3A_123 : vector<256x1xi32> to vector<256x2048xi32>
    %eq3A_125 = arith.cmpi eq, %iota3A, %eq3A_124 : vector<256x2048xi32>
    %neg3A_126 = arith.constant 0.000000e+00 : f32
    %neg3A_127 = arith.constant 0x7F800000 : f32
    %neg3A_128 = arith.subf %neg3A_126, %neg3A_127 : f32
    %broadcast_in_dim3A_129 = vector.broadcast %neg3A_128 : f32 to vector<256x2048xf32>
    %select_n3A_130 = arith.select %eq3A_125, %broadcast_in_dim3A_129, %neg3A_120 : vector<256x2048xi1>, vector<256x2048xf32>
    %argmax3A_131 = tpu.reduce_index %select_n3A_130 {axis = 1 : i32, kind = #tpu.reduction_kind<arg_max>} : vector<256x2048xf32> -> vector<256xi32>
    %reshape3A_132 = vector.shape_cast %argmax3A_131 : vector<256xi32> to vector<256x1xi32>
    %reshape3A_133 = vector.shape_cast %argmax3A_131 : vector<256xi32> to vector<256x1xi32>
    %eq3A_134 = vector.broadcast %reshape3A_133 : vector<256x1xi32> to vector<256x2048xi32>
    %eq3A_135 = arith.cmpi eq, %iota3A, %eq3A_134 : vector<256x2048xi32>
    %neg3A_136 = arith.constant 0.000000e+00 : f32
    %neg3A_137 = arith.constant 0x7F800000 : f32
    %neg3A_138 = arith.subf %neg3A_136, %neg3A_137 : f32
    %broadcast_in_dim3A_139 = vector.broadcast %neg3A_138 : f32 to vector<256x2048xf32>
    %select_n3A_140 = arith.select %eq3A_135, %broadcast_in_dim3A_139, %select_n3A_130 : vector<256x2048xi1>, vector<256x2048xf32>
    %argmax3A_141 = tpu.reduce_index %select_n3A_140 {axis = 1 : i32, kind = #tpu.reduction_kind<arg_max>} : vector<256x2048xf32> -> vector<256xi32>
    %reshape3A_142 = vector.shape_cast %argmax3A_141 : vector<256xi32> to vector<256x1xi32>
    %reshape3A_143 = vector.shape_cast %argmax3A_141 : vector<256xi32> to vector<256x1xi32>
    %eq3A_144 = vector.broadcast %reshape3A_143 : vector<256x1xi32> to vector<256x2048xi32>
    %eq3A_145 = arith.cmpi eq, %iota3A, %eq3A_144 : vector<256x2048xi32>
    %neg3A_146 = arith.constant 0.000000e+00 : f32
    %neg3A_147 = arith.constant 0x7F800000 : f32
    %neg3A_148 = arith.subf %neg3A_146, %neg3A_147 : f32
    %broadcast_in_dim3A_149 = vector.broadcast %neg3A_148 : f32 to vector<256x2048xf32>
    %select_n3A_150 = arith.select %eq3A_145, %broadcast_in_dim3A_149, %select_n3A_140 : vector<256x2048xi1>, vector<256x2048xf32>
    %argmax3A_151 = tpu.reduce_index %select_n3A_150 {axis = 1 : i32, kind = #tpu.reduction_kind<arg_max>} : vector<256x2048xf32> -> vector<256xi32>
    %reshape3A_152 = vector.shape_cast %argmax3A_151 : vector<256xi32> to vector<256x1xi32>
    %reshape3A_153 = vector.shape_cast %argmax3A_151 : vector<256xi32> to vector<256x1xi32>
    %eq3A_154 = vector.broadcast %reshape3A_153 : vector<256x1xi32> to vector<256x2048xi32>
    %eq3A_155 = arith.cmpi eq, %iota3A, %eq3A_154 : vector<256x2048xi32>
    %neg3A_156 = arith.constant 0.000000e+00 : f32
    %neg3A_157 = arith.constant 0x7F800000 : f32
    %neg3A_158 = arith.subf %neg3A_156, %neg3A_157 : f32
    %broadcast_in_dim3A_159 = vector.broadcast %neg3A_158 : f32 to vector<256x2048xf32>
    %select_n3A_160 = arith.select %eq3A_155, %broadcast_in_dim3A_159, %select_n3A_150 : vector<256x2048xi1>, vector<256x2048xf32>
    %argmax3A_161 = tpu.reduce_index %select_n3A_160 {axis = 1 : i32, kind = #tpu.reduction_kind<arg_max>} : vector<256x2048xf32> -> vector<256xi32>
    %reshape3A_162 = vector.shape_cast %argmax3A_161 : vector<256xi32> to vector<256x1xi32>
    %reshape3A_163 = vector.shape_cast %argmax3A_161 : vector<256xi32> to vector<256x1xi32>
    %eq3A_164 = vector.broadcast %reshape3A_163 : vector<256x1xi32> to vector<256x2048xi32>
    %eq3A_165 = arith.cmpi eq, %iota3A, %eq3A_164 : vector<256x2048xi32>
    %neg3A_166 = arith.constant 0.000000e+00 : f32
    %neg3A_167 = arith.constant 0x7F800000 : f32
    %neg3A_168 = arith.subf %neg3A_166, %neg3A_167 : f32
    %broadcast_in_dim3A_169 = vector.broadcast %neg3A_168 : f32 to vector<256x2048xf32>
    %select_n3A_170 = arith.select %eq3A_165, %broadcast_in_dim3A_169, %select_n3A_160 : vector<256x2048xi1>, vector<256x2048xf32>
    %argmax3A_171 = tpu.reduce_index %select_n3A_170 {axis = 1 : i32, kind = #tpu.reduction_kind<arg_max>} : vector<256x2048xf32> -> vector<256xi32>
    %reshape3A_172 = vector.shape_cast %argmax3A_171 : vector<256xi32> to vector<256x1xi32>
    %reshape3A_173 = vector.shape_cast %argmax3A_171 : vector<256xi32> to vector<256x1xi32>
    %eq3A_174 = vector.broadcast %reshape3A_173 : vector<256x1xi32> to vector<256x2048xi32>
    %eq3A_175 = arith.cmpi eq, %iota3A, %eq3A_174 : vector<256x2048xi32>
    %neg3A_176 = arith.constant 0.000000e+00 : f32
    %neg3A_177 = arith.constant 0x7F800000 : f32
    %neg3A_178 = arith.subf %neg3A_176, %neg3A_177 : f32
    %broadcast_in_dim3A_179 = vector.broadcast %neg3A_178 : f32 to vector<256x2048xf32>
    %select_n3A_180 = arith.select %eq3A_175, %broadcast_in_dim3A_179, %select_n3A_170 : vector<256x2048xi1>, vector<256x2048xf32>
    %argmax3A_181 = tpu.reduce_index %select_n3A_180 {axis = 1 : i32, kind = #tpu.reduction_kind<arg_max>} : vector<256x2048xf32> -> vector<256xi32>
    %reshape3A_182 = vector.shape_cast %argmax3A_181 : vector<256xi32> to vector<256x1xi32>
    %reshape3A_183 = vector.shape_cast %argmax3A_181 : vector<256xi32> to vector<256x1xi32>
    %eq3A_184 = vector.broadcast %reshape3A_183 : vector<256x1xi32> to vector<256x2048xi32>
    %eq3A_185 = arith.cmpi eq, %iota3A, %eq3A_184 : vector<256x2048xi32>
    %neg3A_186 = arith.constant 0.000000e+00 : f32
    %neg3A_187 = arith.constant 0x7F800000 : f32
    %neg3A_188 = arith.subf %neg3A_186, %neg3A_187 : f32
    %broadcast_in_dim3A_189 = vector.broadcast %neg3A_188 : f32 to vector<256x2048xf32>
    %select_n3A_190 = arith.select %eq3A_185, %broadcast_in_dim3A_189, %select_n3A_180 : vector<256x2048xi1>, vector<256x2048xf32>
    %argmax3A_191 = tpu.reduce_index %select_n3A_190 {axis = 1 : i32, kind = #tpu.reduction_kind<arg_max>} : vector<256x2048xf32> -> vector<256xi32>
    %reshape3A_192 = vector.shape_cast %argmax3A_191 : vector<256xi32> to vector<256x1xi32>
    %reshape3A_193 = vector.shape_cast %argmax3A_191 : vector<256xi32> to vector<256x1xi32>
    %eq3A_194 = vector.broadcast %reshape3A_193 : vector<256x1xi32> to vector<256x2048xi32>
    %eq3A_195 = arith.cmpi eq, %iota3A, %eq3A_194 : vector<256x2048xi32>
    %neg3A_196 = arith.constant 0.000000e+00 : f32
    %neg3A_197 = arith.constant 0x7F800000 : f32
    %neg3A_198 = arith.subf %neg3A_196, %neg3A_197 : f32
    %broadcast_in_dim3A_199 = vector.broadcast %neg3A_198 : f32 to vector<256x2048xf32>
    %select_n3A_200 = arith.select %eq3A_195, %broadcast_in_dim3A_199, %select_n3A_190 : vector<256x2048xi1>, vector<256x2048xf32>
    %argmax3A_201 = tpu.reduce_index %select_n3A_200 {axis = 1 : i32, kind = #tpu.reduction_kind<arg_max>} : vector<256x2048xf32> -> vector<256xi32>
    %reshape3A_202 = vector.shape_cast %argmax3A_201 : vector<256xi32> to vector<256x1xi32>
    %reshape3A_203 = vector.shape_cast %argmax3A_201 : vector<256xi32> to vector<256x1xi32>
    %eq3A_204 = vector.broadcast %reshape3A_203 : vector<256x1xi32> to vector<256x2048xi32>
    %eq3A_205 = arith.cmpi eq, %iota3A, %eq3A_204 : vector<256x2048xi32>
    %neg3A_206 = arith.constant 0.000000e+00 : f32
    %neg3A_207 = arith.constant 0x7F800000 : f32
    %neg3A_208 = arith.subf %neg3A_206, %neg3A_207 : f32
    %broadcast_in_dim3A_209 = vector.broadcast %neg3A_208 : f32 to vector<256x2048xf32>
    %select_n3A_210 = arith.select %eq3A_205, %broadcast_in_dim3A_209, %select_n3A_200 : vector<256x2048xi1>, vector<256x2048xf32>
    %argmax3A_211 = tpu.reduce_index %select_n3A_210 {axis = 1 : i32, kind = #tpu.reduction_kind<arg_max>} : vector<256x2048xf32> -> vector<256xi32>
    %reshape3A_212 = vector.shape_cast %argmax3A_211 : vector<256xi32> to vector<256x1xi32>
    %reshape3A_213 = vector.shape_cast %argmax3A_211 : vector<256xi32> to vector<256x1xi32>
    %eq3A_214 = vector.broadcast %reshape3A_213 : vector<256x1xi32> to vector<256x2048xi32>
    %eq3A_215 = arith.cmpi eq, %iota3A, %eq3A_214 : vector<256x2048xi32>
    %neg3A_216 = arith.constant 0.000000e+00 : f32
    %neg3A_217 = arith.constant 0x7F800000 : f32
    %neg3A_218 = arith.subf %neg3A_216, %neg3A_217 : f32
    %broadcast_in_dim3A_219 = vector.broadcast %neg3A_218 : f32 to vector<256x2048xf32>
    %select_n3A_220 = arith.select %eq3A_215, %broadcast_in_dim3A_219, %select_n3A_210 : vector<256x2048xi1>, vector<256x2048xf32>
    %argmax3A_221 = tpu.reduce_index %select_n3A_220 {axis = 1 : i32, kind = #tpu.reduction_kind<arg_max>} : vector<256x2048xf32> -> vector<256xi32>
    %reshape3A_222 = vector.shape_cast %argmax3A_221 : vector<256xi32> to vector<256x1xi32>
    %reshape3A_223 = vector.shape_cast %argmax3A_221 : vector<256xi32> to vector<256x1xi32>
    %eq3A_224 = vector.broadcast %reshape3A_223 : vector<256x1xi32> to vector<256x2048xi32>
    %eq3A_225 = arith.cmpi eq, %iota3A, %eq3A_224 : vector<256x2048xi32>
    %neg3A_226 = arith.constant 0.000000e+00 : f32
    %neg3A_227 = arith.constant 0x7F800000 : f32
    %neg3A_228 = arith.subf %neg3A_226, %neg3A_227 : f32
    %broadcast_in_dim3A_229 = vector.broadcast %neg3A_228 : f32 to vector<256x2048xf32>
    %select_n3A_230 = arith.select %eq3A_225, %broadcast_in_dim3A_229, %select_n3A_220 : vector<256x2048xi1>, vector<256x2048xf32>
    %argmax3A_231 = tpu.reduce_index %select_n3A_230 {axis = 1 : i32, kind = #tpu.reduction_kind<arg_max>} : vector<256x2048xf32> -> vector<256xi32>
    %reshape3A_232 = vector.shape_cast %argmax3A_231 : vector<256xi32> to vector<256x1xi32>
    %reshape3A_233 = vector.shape_cast %argmax3A_231 : vector<256xi32> to vector<256x1xi32>
    %eq3A_234 = vector.broadcast %reshape3A_233 : vector<256x1xi32> to vector<256x2048xi32>
    %eq3A_235 = arith.cmpi eq, %iota3A, %eq3A_234 : vector<256x2048xi32>
    %neg3A_236 = arith.constant 0.000000e+00 : f32
    %neg3A_237 = arith.constant 0x7F800000 : f32
    %neg3A_238 = arith.subf %neg3A_236, %neg3A_237 : f32
    %broadcast_in_dim3A_239 = vector.broadcast %neg3A_238 : f32 to vector<256x2048xf32>
    %select_n3A_240 = arith.select %eq3A_235, %broadcast_in_dim3A_239, %select_n3A_230 : vector<256x2048xi1>, vector<256x2048xf32>
    %argmax3A_241 = tpu.reduce_index %select_n3A_240 {axis = 1 : i32, kind = #tpu.reduction_kind<arg_max>} : vector<256x2048xf32> -> vector<256xi32>
    %reshape3A_242 = vector.shape_cast %argmax3A_241 : vector<256xi32> to vector<256x1xi32>
    %reshape3A_243 = vector.shape_cast %argmax3A_241 : vector<256xi32> to vector<256x1xi32>
    %eq3A_244 = vector.broadcast %reshape3A_243 : vector<256x1xi32> to vector<256x2048xi32>
    %eq3A_245 = arith.cmpi eq, %iota3A, %eq3A_244 : vector<256x2048xi32>
    %neg3A_246 = arith.constant 0.000000e+00 : f32
    %neg3A_247 = arith.constant 0x7F800000 : f32
    %neg3A_248 = arith.subf %neg3A_246, %neg3A_247 : f32
    %broadcast_in_dim3A_249 = vector.broadcast %neg3A_248 : f32 to vector<256x2048xf32>
    %select_n3A_250 = arith.select %eq3A_245, %broadcast_in_dim3A_249, %select_n3A_240 : vector<256x2048xi1>, vector<256x2048xf32>
    %argmax3A_251 = tpu.reduce_index %select_n3A_250 {axis = 1 : i32, kind = #tpu.reduction_kind<arg_max>} : vector<256x2048xf32> -> vector<256xi32>
    %reshape3A_252 = vector.shape_cast %argmax3A_251 : vector<256xi32> to vector<256x1xi32>
    %reshape3A_253 = vector.shape_cast %argmax3A_251 : vector<256xi32> to vector<256x1xi32>
    %eq3A_254 = vector.broadcast %reshape3A_253 : vector<256x1xi32> to vector<256x2048xi32>
    %eq3A_255 = arith.cmpi eq, %iota3A, %eq3A_254 : vector<256x2048xi32>
    %neg3A_256 = arith.constant 0.000000e+00 : f32
    %neg3A_257 = arith.constant 0x7F800000 : f32
    %neg3A_258 = arith.subf %neg3A_256, %neg3A_257 : f32
    %broadcast_in_dim3A_259 = vector.broadcast %neg3A_258 : f32 to vector<256x2048xf32>
    %select_n3A_260 = arith.select %eq3A_255, %broadcast_in_dim3A_259, %select_n3A_250 : vector<256x2048xi1>, vector<256x2048xf32>
    %argmax3A_261 = tpu.reduce_index %select_n3A_260 {axis = 1 : i32, kind = #tpu.reduction_kind<arg_max>} : vector<256x2048xf32> -> vector<256xi32>
    %reshape3A_262 = vector.shape_cast %argmax3A_261 : vector<256xi32> to vector<256x1xi32>
    %reshape3A_263 = vector.shape_cast %argmax3A_261 : vector<256xi32> to vector<256x1xi32>
    %eq3A_264 = vector.broadcast %reshape3A_263 : vector<256x1xi32> to vector<256x2048xi32>
    %eq3A_265 = arith.cmpi eq, %iota3A, %eq3A_264 : vector<256x2048xi32>
    %neg3A_266 = arith.constant 0.000000e+00 : f32
    %neg3A_267 = arith.constant 0x7F800000 : f32
    %neg3A_268 = arith.subf %neg3A_266, %neg3A_267 : f32
    %broadcast_in_dim3A_269 = vector.broadcast %neg3A_268 : f32 to vector<256x2048xf32>
    %select_n3A_270 = arith.select %eq3A_265, %broadcast_in_dim3A_269, %select_n3A_260 : vector<256x2048xi1>, vector<256x2048xf32>
    %argmax3A_271 = tpu.reduce_index %select_n3A_270 {axis = 1 : i32, kind = #tpu.reduction_kind<arg_max>} : vector<256x2048xf32> -> vector<256xi32>
    %reshape3A_272 = vector.shape_cast %argmax3A_271 : vector<256xi32> to vector<256x1xi32>
    %concatenate3A = tpu.concatenate %reshape3A_122, %reshape3A_132, %reshape3A_142, %reshape3A_152, %reshape3A_162, %reshape3A_172, %reshape3A_182, %reshape3A_192, %reshape3A_202, %reshape3A_212, %reshape3A_222, %reshape3A_232, %reshape3A_242, %reshape3A_252, %reshape3A_262, %reshape3A_272 in 1 : vector<256x1xi32>, vector<256x1xi32>, vector<256x1xi32>, vector<256x1xi32>, vector<256x1xi32>, vector<256x1xi32>, vector<256x1xi32>, vector<256x1xi32>, vector<256x1xi32>, vector<256x1xi32>, vector<256x1xi32>, vector<256x1xi32>, vector<256x1xi32>, vector<256x1xi32>, vector<256x1xi32>, vector<256x1xi32> -> vector<256x16xi32>
    %reshape3A_273 = vector.shape_cast %concatenate3A : vector<256x16xi32> to vector<1x1x256x16xi32>
    %swap3A_274 = arith.constant 0 : index
    %swap3A_275 = arith.constant 0 : index
    %swap3A_276 = arith.constant 0 : index
    %swap3A_277 = arith.constant 0 : index
    %swap3A_278 = vector.load %arg10[%swap3A_274, %swap3A_275, %swap3A_276, %swap3A_277] : memref<1x1x256x16xi32, #tpu.memory_space<vmem>>, vector<1x1x256x16xi32>
    tpu.vector_store %arg10[%swap3A_274, %swap3A_275, %swap3A_276, %swap3A_277], %reshape3A_273 {strides = array<i32>} : memref<1x1x256x16xi32, #tpu.memory_space<vmem>>, vector<1x1x256x16xi32>,
    return
  }
  func.func @transform_0(%arg0: i32, %arg1: i32) -> (i32, i32, i32) {
    %c0_i32 = arith.constant 0 : i32
    %c0_i32_0 = arith.constant 0 : i32
    %c0_i32_1 = arith.constant 0 : i32
    return %arg0, %c0_i32, %c0_i32_0 : i32, i32, i32
  }
  func.func @transform_1(%arg0: i32, %arg1: i32) -> (i32, i32, i32) {
    %c0_i32 = arith.constant 0 : i32
    %c0_i32_0 = arith.constant 0 : i32
    %c0_i32_1 = arith.constant 0 : i32
    return %arg0, %c0_i32, %c0_i32_0 : i32, i32, i32
  }
  func.func @transform_2(%arg0: i32, %arg1: i32) -> (i32, i32, i32) {
    %c0_i32 = arith.constant 0 : i32
    %c0_i32_0 = arith.constant 0 : i32
    return %arg0, %arg1, %c0_i32 : i32, i32, i32
  }
  func.func @transform_3(%arg0: i32, %arg1: i32) -> (i32, i32, i32) {
    %c0_i32 = arith.constant 0 : i32
    %c0_i32_0 = arith.constant 0 : i32
    return %arg0, %arg1, %c0_i32 : i32, i32, i32
  }
  func.func @transform_4(%arg0: i32, %arg1: i32) -> (i32, i32, i32) {
    %c0_i32 = arith.constant 0 : i32
    %c0_i32_0 = arith.constant 0 : i32
    %c0_i32_1 = arith.constant 0 : i32
    return %arg0, %c0_i32, %c0_i32_0 : i32, i32, i32
  }
  func.func @transform_5(%arg0: i32, %arg1: i32) -> (i32, i32, i32) {
    %c0_i32 = arith.constant 0 : i32
    %c0_i32_0 = arith.constant 0 : i32
    %c0_i32_1 = arith.constant 0 : i32
    return %arg0, %c0_i32, %c0_i32_0 : i32, i32, i32
  }
  func.func @transform_6(%arg0: i32, %arg1: i32) -> (i32, i32, i32, i32) {
    %c0_i32 = arith.constant 0 : i32
    %c0_i32_0 = arith.constant 0 : i32
    %c0_i32_1 = arith.constant 0 : i32
    return %arg0, %arg1, %c0_i32, %c0_i32_0 : i32, i32, i32, i32
  }
  func.func @transform_7(%arg0: i32, %arg1: i32) -> (i32, i32, i32, i32) {
    %c0_i32 = arith.constant 0 : i32
    %c0_i32_0 = arith.constant 0 : i32
    %c0_i32_1 = arith.constant 0 : i32
    return %arg0, %arg1, %c0_i32, %c0_i32_0 : i32, i32, i32, i32
  }
  func.func @transform_8(%arg0: i32, %arg1: i32) -> (i32, i32, i32, i32) {
    %c0_i32 = arith.constant 0 : i32
    %c0_i32_0 = arith.constant 0 : i32
    %c0_i32_1 = arith.constant 0 : i32
    return %arg0, %arg1, %c0_i32, %c0_i32_0 : i32, i32, i32, i32
  }
}

</mosaic_0001>

<sc_bundles>
// kernel: kernel.4.cloned.1.call-start
scs
__scs_entry_jumppad:
0x0: {  	(pc) =	sbr.rel $0x88, $3  }
0x1: {  	(tag) =	ssettag $0x0;
	lr =	simm.s32 $0x1  }
0x2: {  	[smem:$0x3F9F] =	sst lr;
	_ =	strace $0xD0000000  }
0x3: {  	_ = 	snop  }
0x4: {  	_ = 	snop  }
0x5: {  	_ = 	snop  }
0x6: {  	_ = 	snop  }
0x7: {  	_ = 	snop  }
__scs_overlays_trampoline_lowered:
0x8: {  	[smem:$0x3FAE] =	sst s0  }
0x9: {  	[smem:$0x3FAF] =	sst s1  }
0xa: {  	[smem:$0x3FB0] =	sst s2  }
0xb: {  	[smem:$0x3FB1] =	sst s3  }
0xc: {  	[smem:$0x3FB2] =	sst s4  }
0xd: {  	[smem:$0x3FB3] =	sst s5  }
0xe: {  	[smem:$0x3FB4] =	sst s6  }
0xf: {  	[smem:$0x3FB5] =	sst s7  }
0x10: {  	[smem:$0x3FB6] =	sst s8  }
0x11: {  	[smem:$0x3FB7] =	sst s9;
	s0 =	simm.s32 @!p0 $0x0  }
0x12: {  	s1 =	sld [smem:$0x3F9D];
	s0 =	simm.s32 @p0 $0x1  }
0x13: {  	[smem:$0x3FB8] =	sst s0;
	s0 =	simm.s32 @!p1 $0x0  }
0x14: {  	s2 =	sld [smem:$0x3F9C];
	s0 =	simm.s32 @p1 $0x1  }
0x15: {  	[smem:$0x3FB9] =	sst s0;
	s0 =	simm.s32 @!p2 $0x0  }
0x16: {  	s3 =	sld [smem:$0x3FDB];
	s0 =	simm.s32 @p2 $0x1  }
0x17: {  	s4 =	simm.s32 $0x1BF5;
	[smem:$0x3FBB] =	sst s0  }
0x18: {  	s0 =	sld [smem:$0x3F9E];
	_ =	swait.ge [sflag:s4], $0x0  }
0x19: {  	s7 =	sld [smem:$0x3F9F]  }
0x1a: {  	s8 =	sadd.s32 $0xFFFFE003, lr  }
0x1b: {  	s9 =	sadd.s32 $0xFFFFFEF7, lr;
	s5 =	simm.s32 $0xFFFFFFFF;
	p2 =	slt.u32 s8, $0xFFFFF086  }
0x1c: {  	p1 =	slt.u32 s9, $0xF7A;
	s5 =	simm.s32 @!p2 $0x0  }
0x1d: {  	s5 =	simm.s32 @p1 $0x1;
	p0 =	seq.s32 s7, s2  }
0x1e: {  	s7 =	smul.u32 @!p0 $0xF7A, s2;
	p2 =	seq.s32 @!p0 s5, $0x0  }
0x1f: {  	s9 =	smul.u32 $0xF7A, s1;
	s8 =	simm.s32 @!p0 $0x1BF5;
	p2 =	por !p2, p0  }
0x20: {  	[sflag:s8] =	ssyncset.s32 @!p0 $0xFFFFF086;
	s6 =	sadd.s32 @!p0 s3, s7;
	s7 =	simm.s32 @!p0 $0x108  }
0x21: {  	s3 =	sadd.s32 s3, s9;
	s6 =	sadd.s32 @!p0 $0x88, s6;
	s7 =	simm.s32 @p2 $0x1082  }
0x22: {  	[simem:s7], [sflag:s8] =	dma.local @!p0 [hbm:s6], $0xF7A  }
0x23: {  	s9 =	sor.u32 $0xD0000000, s2;
	s6 =	simm.s32 $0x108;
	_ =	swait.ge @!p0 [sflag:s8], $0x0  }
0x24: {  	s3 =	sadd.s32 $0x88, s3;
	s6 =	simm.s32 @!p1 $0x1082;
	[sflag:s4] =	ssyncset.s32 $0xFFFFF086  }
0x25: {  	[simem:s6], [sflag:s4] =	dma.local [hbm:s3], $0xF7A  }
0x26: {  	[smem:$0x3F9F] =	sst s1;
	(tag) =	ssettag s2;
	_ =	strace s9  }
0x27: {  	s1 =	sld [smem:$0x3FAF]  }
0x28: {  	s2 =	sld [smem:$0x3FB0]  }
0x29: {  	s4 =	sld [smem:$0x3FB2]  }
0x2a: {  	p0 =	seq.s32 s5, $0x0;
	s5 =	sld [smem:$0x3FB3]  }
0x2b: {  	s6 =	sld [smem:$0x3FB4]  }
0x2c: {  	s7 =	sld [smem:$0x3FB5]  }
0x2d: {  	s3 =	simm.s32 $0x108;
	s8 =	sld [smem:$0x3FB6]  }
0x2e: {  	s3 =	simm.s32 @!p0 $0x1082;
	s9 =	sld [smem:$0x3FB7]  }
0x2f: {  	lr =	sadd.s32 s0, s3;
	s0 =	sld [smem:$0x3FAE]  }
0x30: {  	s3 =	sld [smem:$0x3FB1]  }
0x31: {  	[smem:$0x3FBA] =	sst s10  }
0x32: {  	s10 =	sld [smem:$0x3FB8];
	_ =	sdelay $0x3  }
0x33: {  	p0 =	seq.s32 s10, $0x1;
	s10 =	sld [smem:$0x3FBA];
	_ =	sdelay $0x3  }
0x34: {  	[smem:$0x3FBA] =	sst s10  }
0x35: {  	s10 =	sld [smem:$0x3FB9];
	_ =	sdelay $0x3  }
0x36: {  	p1 =	seq.s32 s10, $0x1;
	s10 =	sld [smem:$0x3FBA];
	_ =	sdelay $0x3  }
0x37: {  	[smem:$0x3FBA] =	sst s10  }
0x38: {  	s10 =	sld [smem:$0x3FBB]  }
0x39: {  	_ = 	snop;
	(pc) =	sbr.ind lr, $3  }
0x3a: {  	_ = 	snop  }
0x3b: {  	_ = 	snop  }
0x3c: {  	p2 =	seq.s32 s10, $0x1;
	s10 =	sld [smem:$0x3FBA]  }
0x3d: {  	_ =	shalt  }
0x3e: {  	_ =	shalt  }
0x3f: {  	_ =	shalt  }
0x40: {  	_ =	shalt  }
0x41: {  	_ =	shalt  }
0x42: {  	_ =	shalt  }
0x43: {  	_ =	shalt  }
0x44: {  	_ =	shalt  }
0x45: {  	_ =	shalt  }
0x46: {  	_ =	shalt  }
0x47: {  	_ =	shalt  }
0x48: {  	_ =	shalt  }
0x49: {  	_ =	shalt  }
0x4a: {  	_ =	shalt  }
0x4b: {  	_ =	shalt  }
0x4c: {  	_ =	shalt  }
0x4d: {  	_ =	shalt  }
0x4e: {  	_ =	shalt  }
0x4f: {  	_ =	shalt  }
0x50: {  	_ =	shalt  }
0x51: {  	_ =	shalt  }
0x52: {  	_ =	shalt  }
0x53: {  	_ =	shalt  }
0x54: {  	_ =	shalt  }
0x55: {  	_ =	shalt  }
0x56: {  	_ =	shalt  }
0x57: {  	_ =	shalt  }
0x58: {  	_ =	shalt  }
0x59: {  	_ =	shalt  }
0x5a: {  	_ =	shalt  }
0x5b: {  	_ =	shalt  }
0x5c: {  	_ =	shalt  }
0x5d: {  	_ =	shalt  }
0x5e: {  	_ =	shalt  }
0x5f: {  	_ =	shalt  }
0x60: {  	_ =	shalt  }
0x61: {  	_ =	shalt  }
0x62: {  	_ =	shalt  }
0x63: {  	_ =	shalt  }
0x64: {  	_ =	shalt  }
0x65: {  	_ =	shalt  }
0x66: {  	_ =	shalt  }
0x67: {  	_ =	shalt  }
0x68: {  	_ =	shalt  }
0x69: {  	_ =	shalt  }
0x6a: {  	_ =	shalt  }
0x6b: {  	_ =	shalt  }
0x6c: {  	_ =	shalt  }
0x6d: {  	_ =	shalt  }
0x6e: {  	_ =	shalt  }
0x6f: {  	_ =	shalt  }
0x70: {  	_ =	shalt  }
0x71: {  	_ =	shalt  }
0x72: {  	_ =	shalt  }
0x73: {  	_ =	shalt  }
0x74: {  	_ =	shalt  }
0x75: {  	_ =	shalt  }
0x76: {  	_ =	shalt  }
0x77: {  	_ =	shalt  }
0x78: {  	_ =	shalt  }
0x79: {  	_ =	shalt  }
0x7a: {  	_ =	shalt  }
0x7b: {  	_ =	shalt  }
0x7c: {  	_ =	shalt  }
0x7d: {  	_ =	shalt  }
0x7e: {  	_ =	shalt  }
0x7f: {  	_ =	shalt  }
0x80: {  	_ =	shalt  }
0x81: {  	_ =	shalt  }
0x82: {  	_ =	shalt  }
0x83: {  	_ =	shalt  }
0x84: {  	_ =	shalt  }
0x85: {  	_ =	shalt  }
0x86: {  	_ =	shalt  }
0x87: {  	_ =	shalt  }
.Lfunc_end0:
.L_simem_size_0:
called_computation_lowered:
.L_overlay_start_0:
0x88: {  	s2 =	sld [smem:$0x3FD9]  }
0x89: {  	s3 =	sld [smem:$0x3FFE];
	_ =	sdelay $0x1  }
0x8a: {  	s1 =	srdreg.scid  }
0x8b: {  	s0 =	sand.u32 $0x1, s1  }
0x8c: {  	s16 =	sshll.u32 s0, $0xA;
	s2 =	sadd.s32 s3, s2  }
0x8d: {  	s2 =	sadd.s32 s2, s16  }
0x8e: {  	[smem:$0x3FC6] =	sst s2  }
0x8f: {  	_ = 	snop  }
0x90: {  	(tm) =	ssettm $0x1  }
0x91: {  	s17 =	sld [smem:$0x3FFB];
	_ =	sdelay $0x3  }
0x92: {  	_ =	strace s17  }
0x93: {  	s2 =	sld [smem:$0x3FFC];
	_ =	sdelay $0x3  }
0x94: {  	_ =	strace s2  }
0x95: {  	s2 =	sld [smem:$0x3FFD];
	_ =	sdelay $0x3  }
0x96: {  	_ =	strace s2  }
0x97: {  	_ =	strace $0x8FFFFFFF  }
0x98: {  	s18 =	sld [smem:$0x3FDB];
	_ =	sdelay $0x1  }
0x99: {  	s19 =	simm.s32 $_scs_section_size  }
0x9a: {  	s4 =	simm.s32 $_size__tile_overlayer_lowered;
	s5 =	simm.s32 $_tile_overlayer_lowered  }
0x9b: {  	s22 =	simm.s32 $0x1BFF;
	s21 =	sshll.u32 s5, $0x1;
	s2 =	sadd.s32 s19, s18  }
0x9c: {  	s6 =	simm.s32 $0x0;
	s20 =	sshll.u32 s4, $0x1;
	s4 =	sadd.s32 s21, s2  }
0x9d: {  	[timem:s6], [sflag:s22] =	dma.local [hbm:s4], s20  }
0x9e: {  	_ =	swait.ge [sflag:s22], s20  }
0x9f: {  	s3 =	ssub.s32 $0x0, s20;
	[sflag:s22] =	ssyncset.done $0x0  }
0xa0: {  	[sflag:s22] =	ssyncadd.s32 s3;
	_ =	sdelay $0x1  }
0xa1: {  	s23 =	simm.s32 $0x1B8B  }
0xa2: {  	_ =	swait.ge [sflag:s23], $0x1  }
0xa3: {  	[sflag:s23] =	ssyncset.done $0x0  }
0xa4: {  	s25 =	simm.s32 $0x1B8E;
	s24 =	sld [smem:$0x3FFE];
	[sflag:s23] =	ssyncadd.s32 $0xFFFFFFFF  }
0xa5: {  	s26 =	simm.s32 $execute0_lowered;
	[smem:$0x3FD2] =	sst s25  }
0xa6: {  	s4 =	sshll.u32 s26, $0x1;
	_ =	strace $0x80000046;
	[dreg:$0x1] =	wrdreg $0xFFFFFFFF  }
0xa7: {  	s28 =	simm.s32 $_size_execute0_lowered;
	s2 =	sadd.s32 s2, s4;
	[dreg:$0x0] =	wrdreg $0x0  }
0xa8: {  	s4 =	sshll.u32 s28, $0x1;
	[dreg:$0x2] =	wrdreg s2  }
0xa9: {  	[dreg:$0x3] =	wrdreg s4  }
0xaa: {  	[dreg:$0x4] =	wrdreg $0xC0  }
0xab: {  	_ =	task [dreg:s6], $0x5FFFF  }
0xac: {  	[dreg:$0x1] =	wrdreg $0xFFFFFFFF  }
0xad: {  	[dreg:$0x0] =	wrdreg $0x60  }
0xae: {  	[dreg:$0x2] =	wrdreg s24  }
0xaf: {  	[dreg:$0x3] =	wrdreg $0x9  }
0xb0: {  	_ =	task.clear_ibuf [dreg:s6], $0x4FFFF;
	_ =	strace $0x90000046  }
0xb1: {  	s29 =	simm.s32 $0x9;
	_ =	strace $0x80000048  }
0xb2: {  	_ =	swait.ge [sflag:s29], $0x1  }
0xb3: {  	[sflag:s29] =	ssyncadd.s32 $0xFFFFFFFF  }
0xb4: {  	_ =	strace $0x90000048  }
0xb5: {  	_ =	sfence  }
0xb6: {  	s30 =	sld [smem:$0x0];
	_ =	sdelay $0x2  }
0xb7: {  	s31 =	sshll.u32 s1, $0xD;
	s1 =	sshrl.u32 s1, $0x2  }
0xb8: {  	s3 =	sand.u32 $0x4000, s31;
	s1 =	sadd.s32 s1, s30  }
0xb9: {  	s0 =	sor.u32 s3, s0;
	s1 =	sshll.u32 s1, $0x11  }
0xba: {  	s0 =	sor.u32 s1, s0  }
0xbb: {  	s0 =	sadd.s32 $0x8F2B, s0  }
0xbc: {  	[sflag:s0] =	ssyncadd.remote.s32 $0x1  }
0xbd: {  	_ =	sfence.sel $0xFFFF  }
0xbe: {  	[dreg:$0x0] =	wrdreg $0xFFFFFFFF;
	(pc) =	sbr.abs _section_cstart, $3  }
0xbf: {  	[dreg:$0x1] =	wrdreg $0xFFFFFFFF  }
0xc0: {  	_ =	task.clear_ibuf [dreg:s6], $0x2FFFF;
	_ =	strace $0x9FFFFFFF  }
0xc1: {  	(tm) =	ssettm $0x7FFFFFFF  }
tec
execute0_lowered:
.L_overlay_start_1:
0x0: {  	(tag) =	ssettag $0x1  }
0x1: {  	s1 =	rddreg [dreg:$0x0]  }
0x2: {  	s0 =	rddreg [dreg:$0x1];
	s3 =	simm.s32 $0x0  }
0x3: {  	s4 =	srdreg.scid;
	s2 =	stileid.u32;
	s17 =	simm.s32 $0x1  }
0x4: {  	s18 =	simm.s32 $0x1000;
	s19 =	simm.s32 $0x2000;
	s20 =	simm.s32 $0x3000  }
0x5: {  	s21 =	simm.s32 $0x4000;
	[smem:$0x7FF] =	sst s3;
	s7 =	sand.u32 $0x1, s4  }
0x6: {  	s6 =	sshll.u32 s2, $0x1;
	s4 =	sadd.s32 $0x200, s1;
	s5 =	sadd.s32 $0x400, s1  }
0x7: {  	_ =	strace $0x80000047;
	s8 =	sor.u32 s7, s6;
	s10 =	ssub.s32 $0x2, s7  }
0x8: {  	s6 =	sadd.s32 $0x600, s1;
	s9 =	sshll.u32 s8, $0x4;
	s31 =	sshrl.u32 s10, $0x1  }
0x9: {  	s7 =	sshll.u32 s8, $0x6;
	s15 =	sadd.s32 s9, s1;
	s16 =	ssub.s32 s10, s31  }
0xa: {  	s8 =	sor.u32 $0x10, s7;
	s9 =	sor.u32 $0x20, s7;
	s10 =	sor.u32 $0x30, s7  }
0xb: {  	s11 =	sor.u32 $0x800, s7;
	s12 =	sor.u32 $0x810, s7;
	s13 =	sor.u32 $0x820, s7  }
0xc: {  	s14 =	sor.u32 $0x830, s7;
	s15 =	sadd.s32 $0x800, s15;
	s16 =	smax.u32 s16, $0x1  }
.LBB2_1:
0xd: {  	[tilespmem:s3], [sflag:$0x1] =	stream.linear.gather [hbm4b:s1+s3], $0x1000, $0x38;
	[tilespmem:$0x4080] =	vst v63  }
0xe: {  	_ =	swait.ge [sflag:s17], $0x1000  }
0xf: {  	[sflag:s17] =	ssyncset.done $0x0  }
0x10: {  	[sflag:s17] =	ssyncadd.s32 $0xFFFFF000  }
0x11: {  	[tilespmem:s18], [sflag:$0x1] =	stream.linear.gather [hbm4b:s4+s3], $0x1000, $0x38;
	[tilespmem:$0x4080] =	vst v63  }
0x12: {  	_ =	swait.ge [sflag:s17], $0x1000  }
0x13: {  	[sflag:s17] =	ssyncset.done $0x0  }
0x14: {  	[sflag:s17] =	ssyncadd.s32 $0xFFFFF000  }
0x15: {  	[tilespmem:s19], [sflag:$0x1] =	stream.linear.gather [hbm4b:s5+s3], $0x1000, $0x38;
	[tilespmem:$0x4080] =	vst v63  }
0x16: {  	_ =	swait.ge [sflag:s17], $0x1000  }
0x17: {  	[sflag:s17] =	ssyncset.done $0x0  }
0x18: {  	[sflag:s17] =	ssyncadd.s32 $0xFFFFF000  }
0x19: {  	[tilespmem:s20], [sflag:$0x1] =	stream.linear.gather [hbm4b:s6+s3], $0x1000, $0x38;
	[tilespmem:$0x4080] =	vst v63  }
0x1a: {  	_ =	swait.ge [sflag:s17], $0x1000  }
0x1b: {  	[sflag:s17] =	ssyncset.done $0x0  }
0x1c: {  	[sflag:s17] =	ssyncadd.s32 $0xFFFFF000  }
0x1d: {  	v0 =	vld [tilespmem:s7+$0x2000]  }
0x1e: {  	v1 =	vld [tilespmem:s7+$0x3000]  }
0x1f: {  	v3 =	vld [tilespmem:s8+$0x2000]  }
0x20: {  	v5 =	vld [tilespmem:s8+$0x3000]  }
0x21: {  	v6 =	vld [tilespmem:s7+$0x1000]  }
0x22: {  	v7 =	vld [tilespmem:s7+$0x0]  }
0x23: {  	v8 =	vld [tilespmem:s9+$0x2000]  }
0x24: {  	v10 =	vld [tilespmem:s9+$0x3000]  }
0x25: {  	v12 =	vld [tilespmem:s8+$0x1000]  }
0x26: {  	v13 =	vld [tilespmem:s8+$0x0]  }
0x27: {  	v15 =	vld [tilespmem:s10+$0x2000]  }
0x28: {  	v17 =	vld [tilespmem:s10+$0x3000]  }
0x29: {  	v18 =	vld [tilespmem:s9+$0x1000]  }
0x2a: {  	v19 =	vld [tilespmem:s11+$0x2000]  }
0x2b: {  	v20 =	vld [tilespmem:s9+$0x0]  }
0x2c: {  	v22 =	vld [tilespmem:s11+$0x3000]  }
0x2d: {  	v24 =	vld [tilespmem:s10+$0x1000]  }
0x2e: {  	v25 =	vld [tilespmem:s12+$0x2000]  }
0x2f: {  	v26 =	vld [tilespmem:s10+$0x0]  }
0x30: {  	v28 =	vld [tilespmem:s12+$0x3000]  }
0x31: {  	v30 =	vld [tilespmem:s11+$0x1000]  }
0x32: {  	v31 =	vld [tilespmem:s13+$0x2000]  }
0x33: {  	v32 =	vld [tilespmem:s11+$0x0]  }
0x34: {  	v33 =	vld [tilespmem:s13+$0x3000]  }
0x35: {  	v59 =	vld [tilespmem:s14+$0x2000]  }
0x36: {  	v60 =	vld [tilespmem:s12+$0x1000]  }
0x37: {  	v63 =	vld [tilespmem:s12+$0x0]  }
0x38: {  	v35 =	vld [tilespmem:s14+$0x3000]  }
0x39: {  	v42 =	vld [tilespmem:s13+$0x1000]  }
0x3a: {  	v44 =	vld [tilespmem:s13+$0x0]  }
0x3b: {  	v2 =	vld.idx.msk [tilespmem:v0+s3+$0x0], $0xffff  }
0x3c: {  	v0 =	vld.idx.msk [tilespmem:v0+s18+$0x0], $0xffff  }
0x3d: {  	v4 =	vld.idx.msk [tilespmem:v1+s3+$0x0], $0xffff  }
0x3e: {  	v1 =	vld.idx.msk [tilespmem:v1+s18+$0x0], $0xffff  }
0x3f: {  	v9 =	vld.idx.msk [tilespmem:v3+s3+$0x0], $0xffff  }
0x40: {  	v3 =	vld.idx.msk [tilespmem:v3+s18+$0x0], $0xffff  }
0x41: {  	v11 =	vld.idx.msk [tilespmem:v5+s3+$0x0], $0xffff  }
0x42: {  	v5 =	vld.idx.msk [tilespmem:v5+s18+$0x0], $0xffff  }
0x43: {  	v14 =	vld.idx.msk [tilespmem:v8+s3+$0x0], $0xffff  }
0x44: {  	v8 =	vld.idx.msk [tilespmem:v8+s18+$0x0], $0xffff  }
0x45: {  	v16 =	vld.idx.msk [tilespmem:v10+s3+$0x0], $0xffff  }
0x46: {  	v22 =	vadd.s32 $0x800, v22;
	v10 =	vld.idx.msk [tilespmem:v10+s18+$0x0], $0xffff  }
0x47: {  	v21 =	vld.idx.msk [tilespmem:v15+s3+$0x0], $0xffff  }
0x48: {  	v25 =	vadd.s32 $0x800, v25;
	v15 =	vld.idx.msk [tilespmem:v15+s18+$0x0], $0xffff  }
0x49: {  	v28 =	vadd.s32 $0x800, v28;
	v23 =	vld.idx.msk [tilespmem:v17+s3+$0x0], $0xffff  }
0x4a: {  	v17 =	vld.idx.msk [tilespmem:v17+s18+$0x0], $0xffff  }
0x4b: {  	v6 =	vmul.f32 $1.199999970e-01, v6;
	v56 =	vadd.s32 $0x800, v31;
	v29 =	vld.idx.msk [tilespmem:v22+s3+$0x0], $0xffff  }
0x4c: {  	v19 =	vadd.s32 $0x800, v19;
	v38 =	vmul.f32 $1.199999970e-01, v24;
	v22 =	vld.idx.msk [tilespmem:v22+s18+$0x0], $0xffff  }
0x4d: {  	v57 =	vmul.f32 $1.199999970e-01, v12;
	v43 =	vmul.f32 $1.199999970e-01, v30;
	v6 =	vsub.f32 v6, v7;
	v54 =	vld.idx.msk [tilespmem:v25+s18+$0x0], $0xffff  }
0x4e: {  	v61 =	vadd.s32 $0x800, v33;
	v49 =	vmul.f32 $1.199999970e-01, v60;
	v41 =	vsub.f32 v38, v26;
	v55 =	vld.idx.msk [tilespmem:v28+s3+$0x0], $0xffff  }
0x4f: {  	v47 =	vsub.f32 v43, v32;
	v6 =	vadd.f32 $0.0e+00, v6;
	v58 =	vld.idx.msk [tilespmem:v28+s18+$0x0], $0xffff;
	v0 =	vmul.f32 $2.000000030e-01, v0  }
0x50: {  	v36 =	vld.idx.msk [tilespmem:v56+s18+$0x0], $0xffff;
	v52 =	vmul.f32 $2.000000030e-01, v3;
	v1 =	vsub.f32 v1, v4;
	v5 =	vsub.f32 v5, v11  }
0x51: {  	v53 =	vld.idx.msk [tilespmem:v25+s3+$0x0], $0xffff;
	v8 =	vmul.f32 $2.000000030e-01, v8;
	v34 =	vsub.f32 v10, v16;
	v37 =	vsub.f32 v17, v23  }
0x52: {  	v33 =	vld.idx.msk [tilespmem:v56+s3+$0x0], $0xffff;
	v31 =	vmul.f32 $2.000000030e-01, v15;
	v0 =	vsub.f32 v0, v2;
	v2 =	vsub.f32 v52, v9  }
0x53: {  	v48 =	vld [tilespmem:s14+$0x1000];
	v11 =	vadd.s32 $0x800, v59;
	v1 =	vadd.f32 $0.0e+00, v1;
	v62 =	vsub.f32 v8, v14  }
0x54: {  	v27 =	vld.idx.msk [tilespmem:v19+s3+$0x0], $0xffff;
	v14 =	vsub.f32 v31, v21;
	v45 =	vsub.f32 v22, v29;
	v9 =	vmul.f32 $2.000000030e-01, v54  }
0x55: {  	v19 =	vld.idx.msk [tilespmem:v19+s18+$0x0], $0xffff;
	v4 =	vsub.f32 v58, v55;
	v51 =	vmul.f32 $2.000000030e-01, v36;
	v0 =	vadd.f32 $0.0e+00, v0  }
0x56: {  	v10 =	vadd.s32 $0x800, v35;
	v52 =	vld [tilespmem:s14+$0x0];
	v1 =	vadd.f32 v5, v1;
	v3 =	vsub.f32 v9, v53  }
0x57: {  	v54 =	vmul.f32 $1.199999970e-01, v42;
	v53 =	vsub.f32 v49, v63;
	v56 =	vsub.f32 v51, v33  }
0x58: {  	v28 =	vmul.f32 $1.199999970e-01, v18;
	v39 =	vld.idx.msk [tilespmem:v61+s3+$0x0], $0xffff;
	v0 =	vadd.f32 v2, v0;
	v2 =	vsub.f32 v57, v13  }
0x59: {  	v59 =	vmul.f32 $1.199999970e-01, v48;
	v58 =	vsub.f32 v54, v44;
	v50 =	vld.idx.msk [tilespmem:v11+s18+$0x0], $0xffff;
	v1 =	vadd.f32 v34, v1  }
0x5a: {  	v13 =	vld.idx.msk [tilespmem:v61+s18+$0x0], $0xffff;
	v2 =	vadd.f32 v2, v6;
	v6 =	vsub.f32 v28, v20  }
0x5b: {  	v40 =	vmul.f32 $2.000000030e-01, v19;
	v55 =	vld.idx.msk [tilespmem:v10+s3+$0x0], $0xffff;
	v61 =	vsub.f32 v59, v52;
	v0 =	vadd.f32 v62, v0  }
0x5c: {  	v57 =	vld.idx.msk [tilespmem:v10+s18+$0x0], $0xffff;
	v1 =	vadd.f32 v37, v1;
	v2 =	vadd.f32 v6, v2  }
0x5d: {  	v0 =	vadd.f32 v14, v0;
	v6 =	vsub.f32 v40, v27  }
0x5e: {  	v46 =	vld.idx.msk [tilespmem:v11+s3+$0x0], $0xffff;
	v1 =	vadd.f32 v45, v1;
	v2 =	vadd.f32 v41, v2  }
0x5f: {  	v60 =	vsub.f32 v13, v39;
	v0 =	vadd.f32 v6, v0  }
0x60: {  	v1 =	vadd.f32 v4, v1;
	v2 =	vadd.f32 v47, v2  }
0x61: {  	v9 =	vmul.f32 $2.000000030e-01, v50;
	v63 =	vsub.f32 v57, v55;
	v0 =	vadd.f32 v3, v0  }
0x62: {  	v1 =	vadd.f32 v60, v1;
	v2 =	vadd.f32 v53, v2  }
0x63: {  	v62 =	vsub.f32 v9, v46;
	v0 =	vadd.f32 v56, v0  }
0x64: {  	v1 =	vadd.f32 v63, v1;
	v2 =	vadd.f32 v58, v2  }
0x65: {  	v0 =	vadd.f32 v62, v0  }
0x66: {  	[tilespmem:$0x4020] =	vst v1;
	v2 =	vadd.f32 v61, v2  }
0x67: {  	p0 =	sne.s32 s16, $0x1;
	[tilespmem:$0x4010] =	vst v0  }
.Ltmp0:
0x68: {  	[tilespmem:$0x4000] =	vst v2;
	(pc) =	sbr.rel @p0 .LBB2_1-.Ltmp0, $4  }
0x69: {  	[hbm4b:s15+s3] =	stream.linear.scatter [tilespmem:s21], [sflag:$0x1], $0x80, $0x38;
	[tilespmem:$0x4080] =	vst v63  }
0x6a: {  	_ =	swait.ge [sflag:s17], $0x80  }
0x6b: {  	[sflag:s17] =	ssyncset.done $0x0  }
0x6c: {  	s16 =	sadd.s32 $0xFFFFFFFF, s16;
	[sflag:s17] =	ssyncadd.s32 $0xFFFFFF80  }
0x6d: {  	_ =	sfence.sel $0x180000  }
0x6e: {  	[bflag:$0x0] =	sbarrier.arrive $0xFFFF  }
0x6f: {  	p0 =	sne.s32 s2, $0x0;
	_ =	strace $0x90000047  }
0x70: {  	s0 =	sadd.s32 @!p0 $0x100000, s0;
	[bflag:$0x2] =	sbarrier.arrive $0xFFFF  }
0x71: {  	[sflag:s0] =	ssyncadd.tile.s32 @!p0 $0x1;
	_ =	shalt  }
.Lfunc_end2:
_tile_overlayer_lowered:
.L_overlay_start_2:
0x72: {  	(tag) =	ssettag $0x2  }
0x73: {  	s0 =	rddreg [dreg:$0x0];
	s2 =	stileid.u32  }
0x74: {  	s1 =	rddreg [dreg:$0x1];
	p0 =	sne.s32 s2, $0x0  }
0x75: {  	s3 =	rddreg [dreg:$0x2];
	[bflag:$0x3] =	sbarrier.arrive $0xFFFF;
	s2 =	simm.s32 @!p0 $0x1C01  }
0x76: {  	[timem:s3], [sflag:s2] =	dma.local @!p0 [hbm:s0], s1  }
0x77: {  	s0 =	simm.s32 @!p0 $0x1  }
0x78: {  	_ =	swait.ge @!p0 [sflag:s0], s1  }
0x79: {  	s1 =	ssub.s32 @!p0 $0x0, s1;
	[sflag:s0] =	ssyncset.done @!p0 $0x0  }
0x7a: {  	[sflag:s0] =	ssyncadd.s32 @!p0 s1  }
0x7b: {  	[bflag:$0x3] =	sbarrier.arrive $0xFFFF  }
0x7c: {  	_ =	shalt  }

</sc_bundles>
